<compile_context>
chip_gen: v7x
topology: tpu7x:2x2x1
jax: 0.10.2.dev20260603
libtpu: 0.0.44.dev20260713+nightly
codegen_flags: <defaults>
</compile_context>

<pallas_src>
import functools

import jax
import jax.numpy as jnp
from jax import lax
from jax.experimental import pallas as pl
from jax.experimental.pallas import tpu as pltpu
from jax.experimental.pallas import tpu_sc as plsc

N_NODES = 10000
N_EDGES = 160000

NC = 2
NS = 16
NW = NC * NS

D = 8
Z = 10240
EPT = N_EDGES // NW
OCH = 1000
RPS = Z // NS


def _vmesh():
    return plsc.VectorSubcoreMesh(core_axis_name="c", subcore_axis_name="s")


def _deg_body(dst_hbm, ones_hbm, zeros_hbm, out_hbm, idx_v, ones_v, tab_sh, sem):
    cid = lax.axis_index("c")
    sid = lax.axis_index("s")
    wid = sid * NC + cid
    pltpu.sync_copy(dst_hbm.at[wid], idx_v)
    pltpu.sync_copy(ones_hbm, ones_v)
    pltpu.sync_copy(zeros_hbm.at[pl.ds(sid * RPS, RPS)],
                    tab_sh.at[pl.ds(sid * RPS, RPS)])
    plsc.subcore_barrier()
    for k in range(EPT // OCH):
        pltpu.sync_copy(ones_v, tab_sh.at[idx_v.at[k]], add=True)
    plsc.subcore_barrier()
    pltpu.sync_copy(tab_sh.at[pl.ds(sid * RPS, RPS)],
                    out_hbm.at[cid, pl.ds(sid * RPS, RPS)])


def _sc_degree(dst3, ones8, zeros8):
    return pl.kernel(
        _deg_body,
        out_type=jax.ShapeDtypeStruct((NC, Z, D), jnp.float32),
        mesh=_vmesh(),
        compiler_params=pltpu.CompilerParams(use_tc_tiling_on_sc=False),
        scratch_types=[
            pltpu.VMEM((EPT // OCH, OCH), jnp.int32),
            pltpu.VMEM((OCH, D), jnp.float32),
            pltpu.VMEM_SHARED((Z, D), jnp.float32),
            pltpu.SemaphoreType.DMA,
        ],
    )(dst3, ones8, zeros8)


def _newton_rsqrt(d):
    i = plsc.bitcast(d, jnp.int32)
    i = jnp.int32(0x5F3759DF) - lax.shift_right_logical(i, 1)
    g = plsc.bitcast(i, jnp.float32)
    for _ in range(3):
        g = g * (1.5 - 0.5 * d * g * g)
    return g


def _agg_body(src_hbm, dst_hbm, xw4_hbm, dp_hbm, zeros_hbm, out_hbm,
              src_v, dst_v, rows_v, xw_v, p0_v, p1_v, dis_v, ybuf_v, cbuf_v,
              id_v, ytab_sh, atab_sh, sem):
    cid = lax.axis_index("c")
    sid = lax.axis_index("s")
    wid = sid * NC + cid
    base = sid * RPS

    pltpu.sync_copy(src_hbm.at[wid], src_v)
    pltpu.sync_copy(dst_hbm.at[wid], dst_v)
    pltpu.sync_copy(xw4_hbm.at[pl.ds(base, RPS)], xw_v)
    pltpu.sync_copy(dp_hbm.at[0, pl.ds(base, RPS)], p0_v)
    pltpu.sync_copy(dp_hbm.at[1, pl.ds(base, RPS)], p1_v)
    pltpu.sync_copy(zeros_hbm.at[pl.ds(base, RPS)],
                    atab_sh.at[pl.ds(base, RPS)])

    lanes = lax.iota(jnp.int32, 16)
    colpat = lax.bitwise_and(lanes, 7)
    colmask4 = colpat < 4
    rowhalf = lanes // 8
    zcol = jnp.zeros((16,), jnp.int32)

    def build(k, carry):
        r0 = k * 16
        d = (plsc.load_gather(p0_v, [r0 + lanes, zcol])
             + plsc.load_gather(p1_v, [r0 + lanes, zcol]) + 1.0)
        dis = _newton_rsqrt(d)
        dis_v[pl.ds(r0, 16)] = dis
        id_v[pl.ds(r0, 16)] = base + r0 + lanes
        for j in range(8):
            noderel = r0 + 2 * j + rowhalf
            xwv = plsc.load_gather(xw_v, [noderel, colpat], mask=colmask4)
            disv = plsc.load_gather(dis_v, [noderel])
            plsc.store_scatter(ybuf_v, [noderel, colpat], xwv * disv)
        return carry

    lax.fori_loop(0, RPS // 16, build, 0)
    pltpu.sync_copy(ybuf_v, ytab_sh.at[pl.ds(base, RPS)])
    plsc.subcore_barrier()

    pltpu.async_copy(ytab_sh.at[src_v], rows_v, sem).wait()
    pltpu.sync_copy(rows_v, atab_sh.at[dst_v], add=True)

    @pl.when(cid == 0)
    def _selfterm():
        pltpu.sync_copy(ybuf_v, atab_sh.at[id_v], add=True)

    plsc.subcore_barrier()
    pltpu.sync_copy(atab_sh.at[pl.ds(base, RPS)], p0_v)

    def post(k, carry):
        r0 = k * 16
        for j in range(8):
            noderel = r0 + 2 * j + rowhalf
            av = plsc.load_gather(p0_v, [noderel, colpat])
            disv = plsc.load_gather(dis_v, [noderel])
            plsc.store_scatter(cbuf_v, [noderel, colpat], av * disv,
                               mask=colmask4)
        return carry

    lax.fori_loop(0, RPS // 16, post, 0)
    pltpu.sync_copy(cbuf_v, out_hbm.at[cid, pl.ds(base, RPS)])


def _sc_aggregate(src2, dst2, xw4, deg_parts, zeros8):
    return pl.kernel(
        _agg_body,
        out_type=jax.ShapeDtypeStruct((NC, Z, 4), jnp.float32),
        mesh=_vmesh(),
        compiler_params=pltpu.CompilerParams(use_tc_tiling_on_sc=False,
                                             needs_layout_passes=False),
        scratch_types=[
            pltpu.VMEM((EPT,), jnp.int32),
            pltpu.VMEM((EPT,), jnp.int32),
            pltpu.VMEM((EPT, D), jnp.float32),
            pltpu.VMEM((RPS, 4), jnp.float32),
            pltpu.VMEM((RPS, D), jnp.float32),
            pltpu.VMEM((RPS, D), jnp.float32),
            pltpu.VMEM((RPS,), jnp.float32),
            pltpu.VMEM((RPS, D), jnp.float32),
            pltpu.VMEM((RPS, 4), jnp.float32),
            pltpu.VMEM((RPS,), jnp.int32),
            pltpu.VMEM_SHARED((Z, D), jnp.float32),
            pltpu.VMEM_SHARED((Z, D), jnp.float32),
            pltpu.SemaphoreType.DMA,
        ],
    )(src2, dst2, xw4, deg_parts, zeros8)


def _mm_kernel(x_ref, w_ref, o_ref):
    blk = x_ref.shape[0]
    o_ref[...] = jnp.concatenate(
        [jnp.dot(x_ref[...], w_ref[...], preferred_element_type=jnp.float32),
         jnp.ones((blk, 1), jnp.float32)], axis=1)


def _tc_matmul(x, W_gcn):
    blk = 2048
    return pl.pallas_call(
        _mm_kernel,
        grid=(Z // blk,),
        in_specs=[pl.BlockSpec((blk, 256), lambda i: (i, 0)),
                  pl.BlockSpec((256, 3), lambda i: (0, 0))],
        out_specs=pl.BlockSpec((blk, 4), lambda i: (i, 0)),
        out_shape=jax.ShapeDtypeStruct((Z, 4), jnp.float32),
    )(x, W_gcn)


def _final_kernel(a_ref, bg_ref, wo_ref, bo_ref, h_ref, z_ref):
    aggsum = a_ref[0, :, 0:3] + a_ref[1, :, 0:3]
    h = jnp.maximum(aggsum + bg_ref[...], 0.0)
    h_ref[...] = h
    z_ref[...] = jnp.dot(h, wo_ref[...],
                         preferred_element_type=jnp.float32) + bo_ref[...]


def _tc_final(aggn, b_gcn, W_out, b_out):
    blk = 2000
    return pl.pallas_call(
        _final_kernel,
        grid=(N_NODES // blk,),
        in_specs=[pl.BlockSpec((2, blk, 4), lambda i: (0, i, 0)),
                  pl.BlockSpec((1, 3), lambda i: (0, 0)),
                  pl.BlockSpec((3, 64), lambda i: (0, 0)),
                  pl.BlockSpec((1, 64), lambda i: (0, 0))],
        out_specs=[pl.BlockSpec((blk, 3), lambda i: (i, 0)),
                   pl.BlockSpec((blk, 64), lambda i: (i, 0))],
        out_shape=[jax.ShapeDtypeStruct((N_NODES, 3), jnp.float32),
                   jax.ShapeDtypeStruct((N_NODES, 64), jnp.float32)],
    )(aggn, b_gcn, W_out, b_out)


def kernel(x, edge_index, W_gcn, b_gcn, W_out, b_out):
    src2 = edge_index[0].astype(jnp.int32).reshape(NW, EPT)
    dst2 = edge_index[1].astype(jnp.int32).reshape(NW, EPT)
    dst3 = dst2.reshape(NW, EPT // OCH, OCH)
    zeros8 = jnp.zeros((Z, D), jnp.float32)
    ones8 = jnp.ones((OCH, D), jnp.float32)

    deg_parts = _sc_degree(dst3, ones8, zeros8)
    xw4 = _tc_matmul(x, W_gcn)
    agg = _sc_aggregate(src2, dst2, xw4, deg_parts, zeros8)

    h, z = _tc_final(agg[:, :N_NODES, :],
                     b_gcn.reshape(1, 3), W_out, b_out.reshape(1, 64))
    return (h, z)

# --- scband reference (transcript-rebuilt; emitter-appended) ---
"""Pipeline reference for scband-gcn-61246233641665 (READ-ONLY COPY).

The authoritative reference and input builder live on the scoring server;
editing this copy changes nothing except your own understanding.
"""

import jax, jax.numpy as jnp
import numpy as np

N_NODES = 10000
N_EDGES = 160000
D_IN = 256
D_HID = 3
D_OUT = 64


def setup_inputs(seed: int = 0) -> dict:
    key = jax.random.key(seed)
    k1, k2, k3, k4, k5, k6 = jax.random.split(key, 6)
    x = jax.random.normal(k1, (N_NODES, D_IN), dtype=jnp.float32)
    edge_index = jax.random.randint(k2, (2, N_EDGES), 0, N_NODES, dtype=jnp.int64)
    # GCNConv weight (glorot) and bias
    W_gcn = jax.random.normal(k3, (D_IN, D_HID), dtype=jnp.float32) * (1.0 / np.sqrt(D_IN))
    b_gcn = jnp.zeros((D_HID,), dtype=jnp.float32)
    # Output Linear layer
    W_out = jax.random.normal(k4, (D_HID, D_OUT), dtype=jnp.float32) * (1.0 / np.sqrt(D_HID))
    b_out = jax.random.normal(k5, (D_OUT,), dtype=jnp.float32) * 0.01
    return {"x": x, "edge_index": edge_index, "W_gcn": W_gcn, "b_gcn": b_gcn, "W_out": W_out, "b_out": b_out}


def reference(x, edge_index, W_gcn, b_gcn, W_out, b_out):
    N = x.shape[0]
    src = edge_index[0]
    dst = edge_index[1]
    # add self loops (PyG GCNConv default)
    loop = jnp.arange(N, dtype=edge_index.dtype)
    src = jnp.concatenate([src, loop])
    dst = jnp.concatenate([dst, loop])
    # linear transform first (out_channels = 3 < in_channels)
    xw = x @ W_gcn
    # symmetric normalization: deg over dst with edge weight 1.0
    deg = jnp.zeros((N,), dtype=jnp.float32).at[dst].add(1.0)
    deg_inv_sqrt = jnp.where(deg > 0, deg ** -0.5, 0.0)
    norm = deg_inv_sqrt[src] * deg_inv_sqrt[dst]
    # message + scatter-add aggregation at dst
    msg = xw[src] * norm[:, None]
    agg = jnp.zeros((N, xw.shape[1]), dtype=jnp.float32).at[dst].add(msg)
    h = jax.nn.relu(agg + b_gcn)
    z = h @ W_out + b_out
    return (h, z)

if __name__ == "__main__":
    import jax
    _d = setup_inputs()
    print(jax.jit(kernel)(*tuple(_d.values())))

</pallas_src>

<mosaic_0001>
#map = affine_map<(d0, d1) -> (0, 0)>
#map1 = affine_map<(d0, d1) -> (0, 0, 0)>
module attributes {stable_mosaic.version = 14 : i64} {
  func.func @_agg_body(%arg0: i32, %arg1: i32, %arg2: memref<32x5000xi32, #tpu.memory_space<hbm>>, %arg3: memref<32x5000xi32, #tpu.memory_space<hbm>>, %arg4: memref<10240x4xf32, #tpu.memory_space<hbm>>, %arg5: memref<2x10240x8xf32, #tpu.memory_space<hbm>>, %arg6: memref<10240x8xf32, #tpu.memory_space<hbm>>, %arg7: memref<2x10240x4xf32, #tpu.memory_space<hbm>>, %arg8: memref<5000xi32, #tpu.memory_space<vmem>>, %arg9: memref<5000xi32, #tpu.memory_space<vmem>>, %arg10: memref<5000x8xf32, #tpu.memory_space<vmem>>, %arg11: memref<640x4xf32, #tpu.memory_space<vmem>>, %arg12: memref<640x8xf32, #tpu.memory_space<vmem>>, %arg13: memref<640x8xf32, #tpu.memory_space<vmem>>, %arg14: memref<640xf32, #tpu.memory_space<vmem>>, %arg15: memref<640x8xf32, #tpu.memory_space<vmem>>, %arg16: memref<640x4xf32, #tpu.memory_space<vmem>>, %arg17: memref<640xi32, #tpu.memory_space<vmem>>, %arg18: memref<10240x8xf32, #tpu.memory_space<vmem_shared>>, %arg19: memref<10240x8xf32, #tpu.memory_space<vmem_shared>>, %arg20: memref<!tpu.dma_semaphore, #tpu.memory_space<semaphore_mem>>) attributes {dimension_semantics = [#tpu.dimension_semantics<core_parallel>, #tpu.dimension_semantics<subcore_parallel>], iteration_bounds = array<i64: 2, 16>, scalar_prefetch = 0 : i64, scratch_operands = 13 : i64, tpu.core_type = #tpu.core_type<sc_vector_subcore>, window_params = [{transform_indices = #map}, {transform_indices = #map}, {transform_indices = #map}, {transform_indices = #map1}, {transform_indices = #map}, {transform_indices = #map1}]} {
    %mul3A = arith.constant 2 : i32
    %mul3A_0 = arith.muli %arg1, %mul3A : i32
    %add3A = arith.addi %mul3A_0, %arg0 : i32
    %mul3A_1 = arith.constant 640 : i32
    %mul3A_2 = arith.muli %arg1, %mul3A_1 : i32
    "tpu.region"() ({
      %run_scoped3A_51 = tpu.sem_alloc : memref<!tpu.dma_semaphore, #tpu.memory_space<semaphore_mem>>
      %dma_start3A_52 = arith.constant 0 : i32
      %dma_start3A_53 = tpu.memref_slice %arg2[%add3A, %dma_start3A_52] : memref<32x5000xi32, #tpu.memory_space<hbm>> -> memref<1x5000xi32, #tpu.memory_space<hbm>>
      %dma_start3A_54 = tpu.memref_squeeze %dma_start3A_53 : memref<1x5000xi32, #tpu.memory_space<hbm>> -> memref<5000xi32, #tpu.memory_space<hbm>>
      %dma_start3A_55 = arith.constant 0 : i32
      %dma_start3A_56 = tpu.memref_slice %arg2[%add3A, %dma_start3A_55] : memref<32x5000xi32, #tpu.memory_space<hbm>> -> memref<1x5000xi32, #tpu.memory_space<hbm>>
      %dma_start3A_57 = tpu.memref_squeeze %dma_start3A_56 : memref<1x5000xi32, #tpu.memory_space<hbm>> -> memref<5000xi32, #tpu.memory_space<hbm>>
      tpu.enqueue_dma source(%dma_start3A_57 : memref<5000xi32, #tpu.memory_space<hbm>>) target(%arg8 : memref<5000xi32, #tpu.memory_space<vmem>>) target_semaphore(%run_scoped3A_51 : memref<!tpu.dma_semaphore, #tpu.memory_space<semaphore_mem>>)
      %dma_wait3A_58 = arith.constant 0 : i32
      %dma_wait3A_59 = tpu.memref_slice %arg2[%add3A, %dma_wait3A_58] : memref<32x5000xi32, #tpu.memory_space<hbm>> -> memref<1x5000xi32, #tpu.memory_space<hbm>>
      %dma_wait3A_60 = tpu.memref_squeeze %dma_wait3A_59 : memref<1x5000xi32, #tpu.memory_space<hbm>> -> memref<5000xi32, #tpu.memory_space<hbm>>
      %dma_wait3A_61 = arith.constant 0 : i32
      %dma_wait3A_62 = tpu.memref_slice %arg2[%add3A, %dma_wait3A_61] : memref<32x5000xi32, #tpu.memory_space<hbm>> -> memref<1x5000xi32, #tpu.memory_space<hbm>>
      %dma_wait3A_63 = tpu.memref_squeeze %dma_wait3A_62 : memref<1x5000xi32, #tpu.memory_space<hbm>> -> memref<5000xi32, #tpu.memory_space<hbm>>
      tpu.wait_dma2 semaphore(%run_scoped3A_51 : memref<!tpu.dma_semaphore, #tpu.memory_space<semaphore_mem>>) src(%dma_wait3A_63 : memref<5000xi32, #tpu.memory_space<hbm>>) dst(%arg8 : memref<5000xi32, #tpu.memory_space<vmem>>)
      tpu.yield
    }) : () -> ()
    "tpu.region"() ({
      %run_scoped3A_51 = tpu.sem_alloc : memref<!tpu.dma_semaphore, #tpu.memory_space<semaphore_mem>>
      %dma_start3A_52 = arith.constant 0 : i32
      %dma_start3A_53 = tpu.memref_slice %arg3[%add3A, %dma_start3A_52] : memref<32x5000xi32, #tpu.memory_space<hbm>> -> memref<1x5000xi32, #tpu.memory_space<hbm>>
      %dma_start3A_54 = tpu.memref_squeeze %dma_start3A_53 : memref<1x5000xi32, #tpu.memory_space<hbm>> -> memref<5000xi32, #tpu.memory_space<hbm>>
      %dma_start3A_55 = arith.constant 0 : i32
      %dma_start3A_56 = tpu.memref_slice %arg3[%add3A, %dma_start3A_55] : memref<32x5000xi32, #tpu.memory_space<hbm>> -> memref<1x5000xi32, #tpu.memory_space<hbm>>
      %dma_start3A_57 = tpu.memref_squeeze %dma_start3A_56 : memref<1x5000xi32, #tpu.memory_space<hbm>> -> memref<5000xi32, #tpu.memory_space<hbm>>
      tpu.enqueue_dma source(%dma_start3A_57 : memref<5000xi32, #tpu.memory_space<hbm>>) target(%arg9 : memref<5000xi32, #tpu.memory_space<vmem>>) target_semaphore(%run_scoped3A_51 : memref<!tpu.dma_semaphore, #tpu.memory_space<semaphore_mem>>)
      %dma_wait3A_58 = arith.constant 0 : i32
      %dma_wait3A_59 = tpu.memref_slice %arg3[%add3A, %dma_wait3A_58] : memref<32x5000xi32, #tpu.memory_space<hbm>> -> memref<1x5000xi32, #tpu.memory_space<hbm>>
      %dma_wait3A_60 = tpu.memref_squeeze %dma_wait3A_59 : memref<1x5000xi32, #tpu.memory_space<hbm>> -> memref<5000xi32, #tpu.memory_space<hbm>>
      %dma_wait3A_61 = arith.constant 0 : i32
      %dma_wait3A_62 = tpu.memref_slice %arg3[%add3A, %dma_wait3A_61] : memref<32x5000xi32, #tpu.memory_space<hbm>> -> memref<1x5000xi32, #tpu.memory_space<hbm>>
      %dma_wait3A_63 = tpu.memref_squeeze %dma_wait3A_62 : memref<1x5000xi32, #tpu.memory_space<hbm>> -> memref<5000xi32, #tpu.memory_space<hbm>>
      tpu.wait_dma2 semaphore(%run_scoped3A_51 : memref<!tpu.dma_semaphore, #tpu.memory_space<semaphore_mem>>) src(%dma_wait3A_63 : memref<5000xi32, #tpu.memory_space<hbm>>) dst(%arg9 : memref<5000xi32, #tpu.memory_space<vmem>>)
      tpu.yield
    }) : () -> ()
    "tpu.region"() ({
      %run_scoped3A_51 = tpu.sem_alloc : memref<!tpu.dma_semaphore, #tpu.memory_space<semaphore_mem>>
      %dma_start3A_52 = arith.constant 0 : i32
      %dma_start3A_53 = tpu.memref_slice %arg4[%mul3A_2, %dma_start3A_52] : memref<10240x4xf32, #tpu.memory_space<hbm>> -> memref<640x4xf32, #tpu.memory_space<hbm>>
      %dma_start3A_54 = arith.constant 0 : i32
      %dma_start3A_55 = tpu.memref_slice %arg4[%mul3A_2, %dma_start3A_54] : memref<10240x4xf32, #tpu.memory_space<hbm>> -> memref<640x4xf32, #tpu.memory_space<hbm>>
      tpu.enqueue_dma source(%dma_start3A_55 : memref<640x4xf32, #tpu.memory_space<hbm>>) target(%arg11 : memref<640x4xf32, #tpu.memory_space<vmem>>) target_semaphore(%run_scoped3A_51 : memref<!tpu.dma_semaphore, #tpu.memory_space<semaphore_mem>>)
      %dma_wait3A_56 = arith.constant 0 : i32
      %dma_wait3A_57 = tpu.memref_slice %arg4[%mul3A_2, %dma_wait3A_56] : memref<10240x4xf32, #tpu.memory_space<hbm>> -> memref<640x4xf32, #tpu.memory_space<hbm>>
      %dma_wait3A_58 = arith.constant 0 : i32
      %dma_wait3A_59 = tpu.memref_slice %arg4[%mul3A_2, %dma_wait3A_58] : memref<10240x4xf32, #tpu.memory_space<hbm>> -> memref<640x4xf32, #tpu.memory_space<hbm>>
      tpu.wait_dma2 semaphore(%run_scoped3A_51 : memref<!tpu.dma_semaphore, #tpu.memory_space<semaphore_mem>>) src(%dma_wait3A_59 : memref<640x4xf32, #tpu.memory_space<hbm>>) dst(%arg11 : memref<640x4xf32, #tpu.memory_space<vmem>>)
      tpu.yield
    }) : () -> ()
    %run_scoped3A = arith.constant 0 : i32
    "tpu.region"() ({
      %run_scoped3A_51 = tpu.sem_alloc : memref<!tpu.dma_semaphore, #tpu.memory_space<semaphore_mem>>
      %dma_start3A_52 = arith.constant 0 : i32
      %dma_start3A_53 = tpu.memref_slice %arg5[%run_scoped3A, %mul3A_2, %dma_start3A_52] : memref<2x10240x8xf32, #tpu.memory_space<hbm>> -> memref<1x640x8xf32, #tpu.memory_space<hbm>>
      %dma_start3A_54 = tpu.memref_squeeze %dma_start3A_53 : memref<1x640x8xf32, #tpu.memory_space<hbm>> -> memref<640x8xf32, #tpu.memory_space<hbm>>
      %dma_start3A_55 = arith.constant 0 : i32
      %dma_start3A_56 = tpu.memref_slice %arg5[%run_scoped3A, %mul3A_2, %dma_start3A_55] : memref<2x10240x8xf32, #tpu.memory_space<hbm>> -> memref<1x640x8xf32, #tpu.memory_space<hbm>>
      %dma_start3A_57 = tpu.memref_squeeze %dma_start3A_56 : memref<1x640x8xf32, #tpu.memory_space<hbm>> -> memref<640x8xf32, #tpu.memory_space<hbm>>
      tpu.enqueue_dma source(%dma_start3A_57 : memref<640x8xf32, #tpu.memory_space<hbm>>) target(%arg12 : memref<640x8xf32, #tpu.memory_space<vmem>>) target_semaphore(%run_scoped3A_51 : memref<!tpu.dma_semaphore, #tpu.memory_space<semaphore_mem>>)
      %dma_wait3A_58 = arith.constant 0 : i32
      %dma_wait3A_59 = tpu.memref_slice %arg5[%run_scoped3A, %mul3A_2, %dma_wait3A_58] : memref<2x10240x8xf32, #tpu.memory_space<hbm>> -> memref<1x640x8xf32, #tpu.memory_space<hbm>>
      %dma_wait3A_60 = tpu.memref_squeeze %dma_wait3A_59 : memref<1x640x8xf32, #tpu.memory_space<hbm>> -> memref<640x8xf32, #tpu.memory_space<hbm>>
      %dma_wait3A_61 = arith.constant 0 : i32
      %dma_wait3A_62 = tpu.memref_slice %arg5[%run_scoped3A, %mul3A_2, %dma_wait3A_61] : memref<2x10240x8xf32, #tpu.memory_space<hbm>> -> memref<1x640x8xf32, #tpu.memory_space<hbm>>
      %dma_wait3A_63 = tpu.memref_squeeze %dma_wait3A_62 : memref<1x640x8xf32, #tpu.memory_space<hbm>> -> memref<640x8xf32, #tpu.memory_space<hbm>>
      tpu.wait_dma2 semaphore(%run_scoped3A_51 : memref<!tpu.dma_semaphore, #tpu.memory_space<semaphore_mem>>) src(%dma_wait3A_63 : memref<640x8xf32, #tpu.memory_space<hbm>>) dst(%arg12 : memref<640x8xf32, #tpu.memory_space<vmem>>)
      tpu.yield
    }) : () -> ()
    %run_scoped3A_3 = arith.constant 1 : i32
    "tpu.region"() ({
      %run_scoped3A_51 = tpu.sem_alloc : memref<!tpu.dma_semaphore, #tpu.memory_space<semaphore_mem>>
      %dma_start3A_52 = arith.constant 0 : i32
      %dma_start3A_53 = tpu.memref_slice %arg5[%run_scoped3A_3, %mul3A_2, %dma_start3A_52] : memref<2x10240x8xf32, #tpu.memory_space<hbm>> -> memref<1x640x8xf32, #tpu.memory_space<hbm>>
      %dma_start3A_54 = tpu.memref_squeeze %dma_start3A_53 : memref<1x640x8xf32, #tpu.memory_space<hbm>> -> memref<640x8xf32, #tpu.memory_space<hbm>>
      %dma_start3A_55 = arith.constant 0 : i32
      %dma_start3A_56 = tpu.memref_slice %arg5[%run_scoped3A_3, %mul3A_2, %dma_start3A_55] : memref<2x10240x8xf32, #tpu.memory_space<hbm>> -> memref<1x640x8xf32, #tpu.memory_space<hbm>>
      %dma_start3A_57 = tpu.memref_squeeze %dma_start3A_56 : memref<1x640x8xf32, #tpu.memory_space<hbm>> -> memref<640x8xf32, #tpu.memory_space<hbm>>
      tpu.enqueue_dma source(%dma_start3A_57 : memref<640x8xf32, #tpu.memory_space<hbm>>) target(%arg13 : memref<640x8xf32, #tpu.memory_space<vmem>>) target_semaphore(%run_scoped3A_51 : memref<!tpu.dma_semaphore, #tpu.memory_space<semaphore_mem>>)
      %dma_wait3A_58 = arith.constant 0 : i32
      %dma_wait3A_59 = tpu.memref_slice %arg5[%run_scoped3A_3, %mul3A_2, %dma_wait3A_58] : memref<2x10240x8xf32, #tpu.memory_space<hbm>> -> memref<1x640x8xf32, #tpu.memory_space<hbm>>
      %dma_wait3A_60 = tpu.memref_squeeze %dma_wait3A_59 : memref<1x640x8xf32, #tpu.memory_space<hbm>> -> memref<640x8xf32, #tpu.memory_space<hbm>>
      %dma_wait3A_61 = arith.constant 0 : i32
      %dma_wait3A_62 = tpu.memref_slice %arg5[%run_scoped3A_3, %mul3A_2, %dma_wait3A_61] : memref<2x10240x8xf32, #tpu.memory_space<hbm>> -> memref<1x640x8xf32, #tpu.memory_space<hbm>>
      %dma_wait3A_63 = tpu.memref_squeeze %dma_wait3A_62 : memref<1x640x8xf32, #tpu.memory_space<hbm>> -> memref<640x8xf32, #tpu.memory_space<hbm>>
      tpu.wait_dma2 semaphore(%run_scoped3A_51 : memref<!tpu.dma_semaphore, #tpu.memory_space<semaphore_mem>>) src(%dma_wait3A_63 : memref<640x8xf32, #tpu.memory_space<hbm>>) dst(%arg13 : memref<640x8xf32, #tpu.memory_space<vmem>>)
      tpu.yield
    }) : () -> ()
    "tpu.region"() ({
      %run_scoped3A_51 = tpu.sem_alloc : memref<!tpu.dma_semaphore, #tpu.memory_space<semaphore_mem>>
      %dma_start3A_52 = arith.constant 0 : i32
      %dma_start3A_53 = tpu.memref_slice %arg19[%mul3A_2, %dma_start3A_52] : memref<10240x8xf32, #tpu.memory_space<vmem_shared>> -> memref<640x8xf32, #tpu.memory_space<vmem_shared>>
      %dma_start3A_54 = arith.constant 0 : i32
      %dma_start3A_55 = tpu.memref_slice %arg6[%mul3A_2, %dma_start3A_54] : memref<10240x8xf32, #tpu.memory_space<hbm>> -> memref<640x8xf32, #tpu.memory_space<hbm>>
      tpu.enqueue_dma source(%dma_start3A_55 : memref<640x8xf32, #tpu.memory_space<hbm>>) target(%dma_start3A_53 : memref<640x8xf32, #tpu.memory_space<vmem_shared>>) target_semaphore(%run_scoped3A_51 : memref<!tpu.dma_semaphore, #tpu.memory_space<semaphore_mem>>)
      %dma_wait3A_56 = arith.constant 0 : i32
      %dma_wait3A_57 = tpu.memref_slice %arg19[%mul3A_2, %dma_wait3A_56] : memref<10240x8xf32, #tpu.memory_space<vmem_shared>> -> memref<640x8xf32, #tpu.memory_space<vmem_shared>>
      %dma_wait3A_58 = arith.constant 0 : i32
      %dma_wait3A_59 = tpu.memref_slice %arg6[%mul3A_2, %dma_wait3A_58] : memref<10240x8xf32, #tpu.memory_space<hbm>> -> memref<640x8xf32, #tpu.memory_space<hbm>>
      tpu.wait_dma2 semaphore(%run_scoped3A_51 : memref<!tpu.dma_semaphore, #tpu.memory_space<semaphore_mem>>) src(%dma_wait3A_59 : memref<640x8xf32, #tpu.memory_space<hbm>>) dst(%dma_wait3A_57 : memref<640x8xf32, #tpu.memory_space<vmem_shared>>)
      tpu.yield
    }) : () -> ()
    %iota3A = tpu.iota {dimensions = array<i32: 0>} : vector<16xi32>
    %and3A = arith.constant 7 : i32
    %and3A_4 = vector.broadcast %and3A : i32 to vector<16xi32>
    %and3A_5 = arith.andi %iota3A, %and3A_4 : vector<16xi32>
    %lt3A = arith.constant 4 : i32
    %lt3A_6 = vector.broadcast %lt3A : i32 to vector<16xi32>
    %lt3A_7 = arith.cmpi slt, %and3A_5, %lt3A_6 : vector<16xi32>
    %jit3A = arith.constant 8 : i32
    %div3A = vector.broadcast %jit3A : i32 to vector<16xi32>
    %div3A_8 = arith.divsi %iota3A, %div3A : vector<16xi32>
    %sign3A = arith.constant 0 : i32
    %sign3A_9 = vector.broadcast %sign3A : i32 to vector<16xi32>
    %sign3A_10 = arith.cmpi sgt, %iota3A, %sign3A_9 : vector<16xi32>
    %sign3A_11 = arith.extui %sign3A_10 : vector<16xi1> to vector<16xi32>
    %sign3A_12 = arith.constant 0 : i32
    %sign3A_13 = vector.broadcast %sign3A_12 : i32 to vector<16xi32>
    %sign3A_14 = arith.cmpi slt, %iota3A, %sign3A_13 : vector<16xi32>
    %sign3A_15 = arith.extui %sign3A_14 : vector<16xi1> to vector<16xi32>
    %sign3A_16 = arith.subi %sign3A_11, %sign3A_15 : vector<16xi32>
    %sign3A_17 = arith.constant 0 : i32
    %sign3A_18 = arith.cmpi sgt, %jit3A, %sign3A_17 : i32
    %sign3A_19 = arith.extui %sign3A_18 : i1 to i32
    %sign3A_20 = arith.constant 0 : i32
    %sign3A_21 = arith.cmpi slt, %jit3A, %sign3A_20 : i32
    %sign3A_22 = arith.extui %sign3A_21 : i1 to i32
    %sign3A_23 = arith.subi %sign3A_19, %sign3A_22 : i32
    %ne3A = vector.broadcast %sign3A_23 : i32 to vector<16xi32>
    %ne3A_24 = arith.cmpi ne, %sign3A_16, %ne3A : vector<16xi32>
    %rem3A = vector.broadcast %jit3A : i32 to vector<16xi32>
    %rem3A_25 = arith.remsi %iota3A, %rem3A : vector<16xi32>
    %ne3A_26 = arith.constant 0 : i32
    %ne3A_27 = vector.broadcast %ne3A_26 : i32 to vector<16xi32>
    %ne3A_28 = arith.cmpi ne, %rem3A_25, %ne3A_27 : vector<16xi32>
    %and3A_29 = arith.andi %ne3A_24, %ne3A_28 : vector<16xi1>
    %sub3A = arith.constant 1 : i32
    %sub3A_30 = vector.broadcast %sub3A : i32 to vector<16xi32>
    %sub3A_31 = arith.subi %div3A_8, %sub3A_30 : vector<16xi32>
    %select_n3A = arith.select %and3A_29, %sub3A_31, %div3A_8 : vector<16xi1>, vector<16xi32>
    %broadcast_in_dim3A = arith.constant 0 : i32
    %broadcast_in_dim3A_32 = vector.broadcast %broadcast_in_dim3A : i32 to vector<16xi32>
    %scan3A = arith.constant 0 : i32
    %scan3A_33 = arith.constant 0 : i32
    %scan3A_34 = arith.constant 40 : i32
    %scan3A_35 = arith.addi %scan3A_33, %scan3A_34 : i32
    %scan3A_36 = arith.constant 1 : i32
    scf.for %scan3A_51 = %scan3A_33 to %scan3A_35 step %scan3A_36  : i32 {
      %mul3A_52 = arith.constant 16 : i32
      %mul3A_53 = arith.muli %scan3A_51, %mul3A_52 : i32
      %add3A_54 = vector.broadcast %mul3A_53 : i32 to vector<16xi32>
      %add3A_55 = arith.addi %add3A_54, %iota3A : vector<16xi32>
      %gather3A = tpu.vector_load_idx %arg12[%add3A_55, %broadcast_in_dim3A_32] : memref<640x8xf32, #tpu.memory_space<vmem>>[vector<16xi32>, vector<16xi32>], vector<16xf32>,
      %add3A_56 = vector.broadcast %mul3A_53 : i32 to vector<16xi32>
      %add3A_57 = arith.addi %add3A_56, %iota3A : vector<16xi32>
      %gather3A_58 = tpu.vector_load_idx %arg13[%add3A_57, %broadcast_in_dim3A_32] : memref<640x8xf32, #tpu.memory_space<vmem>>[vector<16xi32>, vector<16xi32>], vector<16xf32>,
      %add3A_59 = arith.addf %gather3A, %gather3A_58 : vector<16xf32>
      %add3A_60 = arith.constant 1.000000e+00 : f32
      %add3A_61 = vector.broadcast %add3A_60 : f32 to vector<16xf32>
      %add3A_62 = arith.addf %add3A_59, %add3A_61 : vector<16xf32>
      %bitcast3A = vector.bitcast %add3A_62 : vector<16xf32> to vector<16xi32>
      %shift_right_logical3A = arith.constant 1 : i32
      %shift_right_logical3A_63 = vector.broadcast %shift_right_logical3A : i32 to vector<16xi32>
      %shift_right_logical3A_64 = arith.shrui %bitcast3A, %shift_right_logical3A_63 : vector<16xi32>
      %sub3A_65 = arith.constant 1597463007 : i32
      %sub3A_66 = vector.broadcast %sub3A_65 : i32 to vector<16xi32>
      %sub3A_67 = arith.subi %sub3A_66, %shift_right_logical3A_64 : vector<16xi32>
      %bitcast3A_68 = vector.bitcast %sub3A_67 : vector<16xi32> to vector<16xf32>
      %mul3A_69 = arith.constant 5.000000e-01 : f32
      %mul3A_70 = vector.broadcast %mul3A_69 : f32 to vector<16xf32>
      %mul3A_71 = arith.mulf %mul3A_70, %add3A_62 : vector<16xf32>
      %mul3A_72 = arith.mulf %mul3A_71, %bitcast3A_68 : vector<16xf32>
      %mul3A_73 = arith.mulf %mul3A_72, %bitcast3A_68 : vector<16xf32>
      %sub3A_74 = arith.constant 1.500000e+00 : f32
      %sub3A_75 = vector.broadcast %sub3A_74 : f32 to vector<16xf32>
      %sub3A_76 = arith.subf %sub3A_75, %mul3A_73 : vector<16xf32>
      %mul3A_77 = arith.mulf %bitcast3A_68, %sub3A_76 : vector<16xf32>
      %mul3A_78 = arith.constant 5.000000e-01 : f32
      %mul3A_79 = vector.broadcast %mul3A_78 : f32 to vector<16xf32>
      %mul3A_80 = arith.mulf %mul3A_79, %add3A_62 : vector<16xf32>
      %mul3A_81 = arith.mulf %mul3A_80, %mul3A_77 : vector<16xf32>
      %mul3A_82 = arith.mulf %mul3A_81, %mul3A_77 : vector<16xf32>
      %sub3A_83 = arith.constant 1.500000e+00 : f32
      %sub3A_84 = vector.broadcast %sub3A_83 : f32 to vector<16xf32>
      %sub3A_85 = arith.subf %sub3A_84, %mul3A_82 : vector<16xf32>
      %mul3A_86 = arith.mulf %mul3A_77, %sub3A_85 : vector<16xf32>
      %mul3A_87 = arith.constant 5.000000e-01 : f32
      %mul3A_88 = vector.broadcast %mul3A_87 : f32 to vector<16xf32>
      %mul3A_89 = arith.mulf %mul3A_88, %add3A_62 : vector<16xf32>
      %mul3A_90 = arith.mulf %mul3A_89, %mul3A_86 : vector<16xf32>
      %mul3A_91 = arith.mulf %mul3A_90, %mul3A_86 : vector<16xf32>
      %sub3A_92 = arith.constant 1.500000e+00 : f32
      %sub3A_93 = vector.broadcast %sub3A_92 : f32 to vector<16xf32>
      %sub3A_94 = arith.subf %sub3A_93, %mul3A_91 : vector<16xf32>
      %mul3A_95 = arith.mulf %mul3A_86, %sub3A_94 : vector<16xf32>
      %swap3A = arith.index_cast %mul3A_53 : i32 to index
      %swap3A_96 = tpu.vector_load %arg14[%swap3A] {strides = array<i32>} : memref<640xf32, #tpu.memory_space<vmem>>, vector<16xf32>,
      tpu.vector_store %arg14[%swap3A], %mul3A_95 {strides = array<i32>} : memref<640xf32, #tpu.memory_space<vmem>>, vector<16xf32>,
      %add3A_97 = arith.addi %mul3A_2, %mul3A_53 : i32
      %add3A_98 = vector.broadcast %add3A_97 : i32 to vector<16xi32>
      %add3A_99 = arith.addi %add3A_98, %iota3A : vector<16xi32>
      %swap3A_100 = arith.index_cast %mul3A_53 : i32 to index
      %swap3A_101 = tpu.vector_load %arg17[%swap3A_100] {strides = array<i32>} : memref<640xi32, #tpu.memory_space<vmem>>, vector<16xi32>,
      tpu.vector_store %arg17[%swap3A_100], %add3A_99 {strides = array<i32>} : memref<640xi32, #tpu.memory_space<vmem>>, vector<16xi32>,
      %add3A_102 = arith.constant 0 : i32
      %add3A_103 = arith.addi %mul3A_53, %add3A_102 : i32
      %add3A_104 = vector.broadcast %add3A_103 : i32 to vector<16xi32>
      %add3A_105 = arith.addi %add3A_104, %select_n3A : vector<16xi32>
      %gather3A_106 = tpu.vector_load_idx %arg11[%add3A_105, %and3A_5] masked %lt3A_7 : memref<640x4xf32, #tpu.memory_space<vmem>>[vector<16xi32>, vector<16xi32>], vector<16xf32>, vector<16xi1>
      %gather3A_107 = tpu.vector_load_idx %arg14[%add3A_105] : memref<640xf32, #tpu.memory_space<vmem>>[vector<16xi32>], vector<16xf32>,
      %mul3A_108 = arith.mulf %gather3A_106, %gather3A_107 : vector<16xf32>
      tpu.vector_store_idx %arg15[%add3A_105, %and3A_5], %mul3A_108 : memref<640x8xf32, #tpu.memory_space<vmem>>[vector<16xi32>, vector<16xi32>], vector<16xf32>,
      %add3A_109 = arith.constant 2 : i32
      %add3A_110 = arith.addi %mul3A_53, %add3A_109 : i32
      %add3A_111 = vector.broadcast %add3A_110 : i32 to vector<16xi32>
      %add3A_112 = arith.addi %add3A_111, %select_n3A : vector<16xi32>
      %gather3A_113 = tpu.vector_load_idx %arg11[%add3A_112, %and3A_5] masked %lt3A_7 : memref<640x4xf32, #tpu.memory_space<vmem>>[vector<16xi32>, vector<16xi32>], vector<16xf32>, vector<16xi1>
      %gather3A_114 = tpu.vector_load_idx %arg14[%add3A_112] : memref<640xf32, #tpu.memory_space<vmem>>[vector<16xi32>], vector<16xf32>,
      %mul3A_115 = arith.mulf %gather3A_113, %gather3A_114 : vector<16xf32>
      tpu.vector_store_idx %arg15[%add3A_112, %and3A_5], %mul3A_115 : memref<640x8xf32, #tpu.memory_space<vmem>>[vector<16xi32>, vector<16xi32>], vector<16xf32>,
      %add3A_116 = arith.constant 4 : i32
      %add3A_117 = arith.addi %mul3A_53, %add3A_116 : i32
      %add3A_118 = vector.broadcast %add3A_117 : i32 to vector<16xi32>
      %add3A_119 = arith.addi %add3A_118, %select_n3A : vector<16xi32>
      %gather3A_120 = tpu.vector_load_idx %arg11[%add3A_119, %and3A_5] masked %lt3A_7 : memref<640x4xf32, #tpu.memory_space<vmem>>[vector<16xi32>, vector<16xi32>], vector<16xf32>, vector<16xi1>
      %gather3A_121 = tpu.vector_load_idx %arg14[%add3A_119] : memref<640xf32, #tpu.memory_space<vmem>>[vector<16xi32>], vector<16xf32>,
      %mul3A_122 = arith.mulf %gather3A_120, %gather3A_121 : vector<16xf32>
      tpu.vector_store_idx %arg15[%add3A_119, %and3A_5], %mul3A_122 : memref<640x8xf32, #tpu.memory_space<vmem>>[vector<16xi32>, vector<16xi32>], vector<16xf32>,
      %add3A_123 = arith.constant 6 : i32
      %add3A_124 = arith.addi %mul3A_53, %add3A_123 : i32
      %add3A_125 = vector.broadcast %add3A_124 : i32 to vector<16xi32>
      %add3A_126 = arith.addi %add3A_125, %select_n3A : vector<16xi32>
      %gather3A_127 = tpu.vector_load_idx %arg11[%add3A_126, %and3A_5] masked %lt3A_7 : memref<640x4xf32, #tpu.memory_space<vmem>>[vector<16xi32>, vector<16xi32>], vector<16xf32>, vector<16xi1>
      %gather3A_128 = tpu.vector_load_idx %arg14[%add3A_126] : memref<640xf32, #tpu.memory_space<vmem>>[vector<16xi32>], vector<16xf32>,
      %mul3A_129 = arith.mulf %gather3A_127, %gather3A_128 : vector<16xf32>
      tpu.vector_store_idx %arg15[%add3A_126, %and3A_5], %mul3A_129 : memref<640x8xf32, #tpu.memory_space<vmem>>[vector<16xi32>, vector<16xi32>], vector<16xf32>,
      %add3A_130 = arith.constant 8 : i32
      %add3A_131 = arith.addi %mul3A_53, %add3A_130 : i32
      %add3A_132 = vector.broadcast %add3A_131 : i32 to vector<16xi32>
      %add3A_133 = arith.addi %add3A_132, %select_n3A : vector<16xi32>
      %gather3A_134 = tpu.vector_load_idx %arg11[%add3A_133, %and3A_5] masked %lt3A_7 : memref<640x4xf32, #tpu.memory_space<vmem>>[vector<16xi32>, vector<16xi32>], vector<16xf32>, vector<16xi1>
      %gather3A_135 = tpu.vector_load_idx %arg14[%add3A_133] : memref<640xf32, #tpu.memory_space<vmem>>[vector<16xi32>], vector<16xf32>,
      %mul3A_136 = arith.mulf %gather3A_134, %gather3A_135 : vector<16xf32>
      tpu.vector_store_idx %arg15[%add3A_133, %and3A_5], %mul3A_136 : memref<640x8xf32, #tpu.memory_space<vmem>>[vector<16xi32>, vector<16xi32>], vector<16xf32>,
      %add3A_137 = arith.constant 10 : i32
      %add3A_138 = arith.addi %mul3A_53, %add3A_137 : i32
      %add3A_139 = vector.broadcast %add3A_138 : i32 to vector<16xi32>
      %add3A_140 = arith.addi %add3A_139, %select_n3A : vector<16xi32>
      %gather3A_141 = tpu.vector_load_idx %arg11[%add3A_140, %and3A_5] masked %lt3A_7 : memref<640x4xf32, #tpu.memory_space<vmem>>[vector<16xi32>, vector<16xi32>], vector<16xf32>, vector<16xi1>
      %gather3A_142 = tpu.vector_load_idx %arg14[%add3A_140] : memref<640xf32, #tpu.memory_space<vmem>>[vector<16xi32>], vector<16xf32>,
      %mul3A_143 = arith.mulf %gather3A_141, %gather3A_142 : vector<16xf32>
      tpu.vector_store_idx %arg15[%add3A_140, %and3A_5], %mul3A_143 : memref<640x8xf32, #tpu.memory_space<vmem>>[vector<16xi32>, vector<16xi32>], vector<16xf32>,
      %add3A_144 = arith.constant 12 : i32
      %add3A_145 = arith.addi %mul3A_53, %add3A_144 : i32
      %add3A_146 = vector.broadcast %add3A_145 : i32 to vector<16xi32>
      %add3A_147 = arith.addi %add3A_146, %select_n3A : vector<16xi32>
      %gather3A_148 = tpu.vector_load_idx %arg11[%add3A_147, %and3A_5] masked %lt3A_7 : memref<640x4xf32, #tpu.memory_space<vmem>>[vector<16xi32>, vector<16xi32>], vector<16xf32>, vector<16xi1>
      %gather3A_149 = tpu.vector_load_idx %arg14[%add3A_147] : memref<640xf32, #tpu.memory_space<vmem>>[vector<16xi32>], vector<16xf32>,
      %mul3A_150 = arith.mulf %gather3A_148, %gather3A_149 : vector<16xf32>
      tpu.vector_store_idx %arg15[%add3A_147, %and3A_5], %mul3A_150 : memref<640x8xf32, #tpu.memory_space<vmem>>[vector<16xi32>, vector<16xi32>], vector<16xf32>,
      %add3A_151 = arith.constant 14 : i32
      %add3A_152 = arith.addi %mul3A_53, %add3A_151 : i32
      %add3A_153 = vector.broadcast %add3A_152 : i32 to vector<16xi32>
      %add3A_154 = arith.addi %add3A_153, %select_n3A : vector<16xi32>
      %gather3A_155 = tpu.vector_load_idx %arg11[%add3A_154, %and3A_5] masked %lt3A_7 : memref<640x4xf32, #tpu.memory_space<vmem>>[vector<16xi32>, vector<16xi32>], vector<16xf32>, vector<16xi1>
      %gather3A_156 = tpu.vector_load_idx %arg14[%add3A_154] : memref<640xf32, #tpu.memory_space<vmem>>[vector<16xi32>], vector<16xf32>,
      %mul3A_157 = arith.mulf %gather3A_155, %gather3A_156 : vector<16xf32>
      tpu.vector_store_idx %arg15[%add3A_154, %and3A_5], %mul3A_157 : memref<640x8xf32, #tpu.memory_space<vmem>>[vector<16xi32>, vector<16xi32>], vector<16xf32>,
    }
    %scan3A_37 = arith.constant 40 : i32
    "tpu.region"() ({
      %run_scoped3A_51 = tpu.sem_alloc : memref<!tpu.dma_semaphore, #tpu.memory_space<semaphore_mem>>
      %dma_start3A_52 = arith.constant 0 : i32
      %dma_start3A_53 = tpu.memref_slice %arg18[%mul3A_2, %dma_start3A_52] : memref<10240x8xf32, #tpu.memory_space<vmem_shared>> -> memref<640x8xf32, #tpu.memory_space<vmem_shared>>
      %dma_start3A_54 = arith.constant 0 : i32
      %dma_start3A_55 = tpu.memref_slice %arg18[%mul3A_2, %dma_start3A_54] : memref<10240x8xf32, #tpu.memory_space<vmem_shared>> -> memref<640x8xf32, #tpu.memory_space<vmem_shared>>
      tpu.enqueue_dma source(%arg15 : memref<640x8xf32, #tpu.memory_space<vmem>>) target(%dma_start3A_55 : memref<640x8xf32, #tpu.memory_space<vmem_shared>>) target_semaphore(%run_scoped3A_51 : memref<!tpu.dma_semaphore, #tpu.memory_space<semaphore_mem>>)
      %dma_wait3A_56 = arith.constant 0 : i32
      %dma_wait3A_57 = tpu.memref_slice %arg18[%mul3A_2, %dma_wait3A_56] : memref<10240x8xf32, #tpu.memory_space<vmem_shared>> -> memref<640x8xf32, #tpu.memory_space<vmem_shared>>
      %dma_wait3A_58 = arith.constant 0 : i32
      %dma_wait3A_59 = tpu.memref_slice %arg18[%mul3A_2, %dma_wait3A_58] : memref<10240x8xf32, #tpu.memory_space<vmem_shared>> -> memref<640x8xf32, #tpu.memory_space<vmem_shared>>
      tpu.wait_dma2 semaphore(%run_scoped3A_51 : memref<!tpu.dma_semaphore, #tpu.memory_space<semaphore_mem>>) src(%arg15 : memref<640x8xf32, #tpu.memory_space<vmem>>) dst(%dma_wait3A_59 : memref<640x8xf32, #tpu.memory_space<vmem_shared>>)
      tpu.yield
    }) : () -> ()
    %barrier3A = arith.constant 0 : index
    tpu.barrier barrier_id(%barrier3A)
    %dma_start3A = arith.constant 0 : i32
    %dma_start3A_38 = arith.constant 0 : i32
    %dma_start3A_39 = tpu.memref_slice %arg18[%dma_start3A, %dma_start3A_38] : memref<10240x8xf32, #tpu.memory_space<vmem_shared>> -> memref<10240x8xf32, #tpu.memory_space<vmem_shared>>
    tpu.enqueue_indirect_dma source(%dma_start3A_39 : memref<10240x8xf32, #tpu.memory_space<vmem_shared>>) target(%arg10 : memref<5000x8xf32, #tpu.memory_space<vmem>>) offsets(%arg8 : memref<5000xi32, #tpu.memory_space<vmem>>) semaphore(%arg20 : memref<!tpu.dma_semaphore, #tpu.memory_space<semaphore_mem>>)
    %dma_wait3A = arith.constant 0 : i32
    %dma_wait3A_40 = arith.constant 0 : i32
    %dma_wait3A_41 = tpu.memref_slice %arg18[%dma_wait3A, %dma_wait3A_40] : memref<10240x8xf32, #tpu.memory_space<vmem_shared>> -> memref<10240x8xf32, #tpu.memory_space<vmem_shared>>
    tpu.wait_indirect_dma semaphore(%arg20 : memref<!tpu.dma_semaphore, #tpu.memory_space<semaphore_mem>>) src(%dma_wait3A_41 : memref<10240x8xf32, #tpu.memory_space<vmem_shared>>) dst(%arg10 : memref<5000x8xf32, #tpu.memory_space<vmem>>)
    "tpu.region"() ({
      %run_scoped3A_51 = tpu.sem_alloc : memref<!tpu.dma_semaphore, #tpu.memory_space<semaphore_mem>>
      %dma_start3A_52 = arith.constant 0 : i32
      %dma_start3A_53 = arith.constant 0 : i32
      %dma_start3A_54 = tpu.memref_slice %arg19[%dma_start3A_52, %dma_start3A_53] : memref<10240x8xf32, #tpu.memory_space<vmem_shared>> -> memref<10240x8xf32, #tpu.memory_space<vmem_shared>>
      tpu.enqueue_indirect_dma source(%arg10 : memref<5000x8xf32, #tpu.memory_space<vmem>>) target(%dma_start3A_54 : memref<10240x8xf32, #tpu.memory_space<vmem_shared>>) offsets(%arg9 : memref<5000xi32, #tpu.memory_space<vmem>>) semaphore(%run_scoped3A_51 : memref<!tpu.dma_semaphore, #tpu.memory_space<semaphore_mem>>) {add = true}
      %dma_wait3A_55 = arith.constant 0 : i32
      %dma_wait3A_56 = arith.constant 0 : i32
      %dma_wait3A_57 = tpu.memref_slice %arg19[%dma_wait3A_55, %dma_wait3A_56] : memref<10240x8xf32, #tpu.memory_space<vmem_shared>> -> memref<10240x8xf32, #tpu.memory_space<vmem_shared>>
      tpu.wait_indirect_dma semaphore(%run_scoped3A_51 : memref<!tpu.dma_semaphore, #tpu.memory_space<semaphore_mem>>) src(%arg10 : memref<5000x8xf32, #tpu.memory_space<vmem>>) dst(%dma_wait3A_57 : memref<10240x8xf32, #tpu.memory_space<vmem_shared>>)
      tpu.yield
    }) : () -> ()
    %eq3A = arith.constant 0 : i32
    %eq3A_42 = arith.cmpi eq, %arg0, %eq3A : i32
    %convert_element_type3A = arith.extui %eq3A_42 : i1 to i32
    %cond3A = arith.constant 0 : i32
    %cond3A_43 = arith.cmpi ne, %convert_element_type3A, %cond3A : i32
    scf.if %cond3A_43 {
      "tpu.region"() ({
        %run_scoped3A_51 = tpu.sem_alloc : memref<!tpu.dma_semaphore, #tpu.memory_space<semaphore_mem>>
        %dma_start3A_52 = arith.constant 0 : i32
        %dma_start3A_53 = arith.constant 0 : i32
        %dma_start3A_54 = tpu.memref_slice %arg19[%dma_start3A_52, %dma_start3A_53] : memref<10240x8xf32, #tpu.memory_space<vmem_shared>> -> memref<10240x8xf32, #tpu.memory_space<vmem_shared>>
        tpu.enqueue_indirect_dma source(%arg15 : memref<640x8xf32, #tpu.memory_space<vmem>>) target(%dma_start3A_54 : memref<10240x8xf32, #tpu.memory_space<vmem_shared>>) offsets(%arg17 : memref<640xi32, #tpu.memory_space<vmem>>) semaphore(%run_scoped3A_51 : memref<!tpu.dma_semaphore, #tpu.memory_space<semaphore_mem>>) {add = true}
        %dma_wait3A_55 = arith.constant 0 : i32
        %dma_wait3A_56 = arith.constant 0 : i32
        %dma_wait3A_57 = tpu.memref_slice %arg19[%dma_wait3A_55, %dma_wait3A_56] : memref<10240x8xf32, #tpu.memory_space<vmem_shared>> -> memref<10240x8xf32, #tpu.memory_space<vmem_shared>>
        tpu.wait_indirect_dma semaphore(%run_scoped3A_51 : memref<!tpu.dma_semaphore, #tpu.memory_space<semaphore_mem>>) src(%arg15 : memref<640x8xf32, #tpu.memory_space<vmem>>) dst(%dma_wait3A_57 : memref<10240x8xf32, #tpu.memory_space<vmem_shared>>)
        tpu.yield
      }) : () -> ()
    } else {
    }
    %barrier3A_44 = arith.constant 0 : index
    tpu.barrier barrier_id(%barrier3A_44)
    "tpu.region"() ({
      %run_scoped3A_51 = tpu.sem_alloc : memref<!tpu.dma_semaphore, #tpu.memory_space<semaphore_mem>>
      %dma_start3A_52 = arith.constant 0 : i32
      %dma_start3A_53 = tpu.memref_slice %arg19[%mul3A_2, %dma_start3A_52] : memref<10240x8xf32, #tpu.memory_space<vmem_shared>> -> memref<640x8xf32, #tpu.memory_space<vmem_shared>>
      %dma_start3A_54 = arith.constant 0 : i32
      %dma_start3A_55 = tpu.memref_slice %arg19[%mul3A_2, %dma_start3A_54] : memref<10240x8xf32, #tpu.memory_space<vmem_shared>> -> memref<640x8xf32, #tpu.memory_space<vmem_shared>>
      tpu.enqueue_dma source(%dma_start3A_55 : memref<640x8xf32, #tpu.memory_space<vmem_shared>>) target(%arg12 : memref<640x8xf32, #tpu.memory_space<vmem>>) target_semaphore(%run_scoped3A_51 : memref<!tpu.dma_semaphore, #tpu.memory_space<semaphore_mem>>)
      %dma_wait3A_56 = arith.constant 0 : i32
      %dma_wait3A_57 = tpu.memref_slice %arg19[%mul3A_2, %dma_wait3A_56] : memref<10240x8xf32, #tpu.memory_space<vmem_shared>> -> memref<640x8xf32, #tpu.memory_space<vmem_shared>>
      %dma_wait3A_58 = arith.constant 0 : i32
      %dma_wait3A_59 = tpu.memref_slice %arg19[%mul3A_2, %dma_wait3A_58] : memref<10240x8xf32, #tpu.memory_space<vmem_shared>> -> memref<640x8xf32, #tpu.memory_space<vmem_shared>>
      tpu.wait_dma2 semaphore(%run_scoped3A_51 : memref<!tpu.dma_semaphore, #tpu.memory_space<semaphore_mem>>) src(%dma_wait3A_59 : memref<640x8xf32, #tpu.memory_space<vmem_shared>>) dst(%arg12 : memref<640x8xf32, #tpu.memory_space<vmem>>)
      tpu.yield
    }) : () -> ()
    %scan3A_45 = arith.constant 0 : i32
    %scan3A_46 = arith.constant 0 : i32
    %scan3A_47 = arith.constant 40 : i32
    %scan3A_48 = arith.addi %scan3A_46, %scan3A_47 : i32
    %scan3A_49 = arith.constant 1 : i32
    scf.for %scan3A_51 = %scan3A_46 to %scan3A_48 step %scan3A_49  : i32 {
      %mul3A_52 = arith.constant 16 : i32
      %mul3A_53 = arith.muli %scan3A_51, %mul3A_52 : i32
      %add3A_54 = arith.constant 0 : i32
      %add3A_55 = arith.addi %mul3A_53, %add3A_54 : i32
      %add3A_56 = vector.broadcast %add3A_55 : i32 to vector<16xi32>
      %add3A_57 = arith.addi %add3A_56, %select_n3A : vector<16xi32>
      %gather3A = tpu.vector_load_idx %arg12[%add3A_57, %and3A_5] : memref<640x8xf32, #tpu.memory_space<vmem>>[vector<16xi32>, vector<16xi32>], vector<16xf32>,
      %gather3A_58 = tpu.vector_load_idx %arg14[%add3A_57] : memref<640xf32, #tpu.memory_space<vmem>>[vector<16xi32>], vector<16xf32>,
      %mul3A_59 = arith.mulf %gather3A, %gather3A_58 : vector<16xf32>
      tpu.vector_store_idx %arg16[%add3A_57, %and3A_5], %mul3A_59 masked %lt3A_7 : memref<640x4xf32, #tpu.memory_space<vmem>>[vector<16xi32>, vector<16xi32>], vector<16xf32>, vector<16xi1>
      %add3A_60 = arith.constant 2 : i32
      %add3A_61 = arith.addi %mul3A_53, %add3A_60 : i32
      %add3A_62 = vector.broadcast %add3A_61 : i32 to vector<16xi32>
      %add3A_63 = arith.addi %add3A_62, %select_n3A : vector<16xi32>
      %gather3A_64 = tpu.vector_load_idx %arg12[%add3A_63, %and3A_5] : memref<640x8xf32, #tpu.memory_space<vmem>>[vector<16xi32>, vector<16xi32>], vector<16xf32>,
      %gather3A_65 = tpu.vector_load_idx %arg14[%add3A_63] : memref<640xf32, #tpu.memory_space<vmem>>[vector<16xi32>], vector<16xf32>,
      %mul3A_66 = arith.mulf %gather3A_64, %gather3A_65 : vector<16xf32>
      tpu.vector_store_idx %arg16[%add3A_63, %and3A_5], %mul3A_66 masked %lt3A_7 : memref<640x4xf32, #tpu.memory_space<vmem>>[vector<16xi32>, vector<16xi32>], vector<16xf32>, vector<16xi1>
      %add3A_67 = arith.constant 4 : i32
      %add3A_68 = arith.addi %mul3A_53, %add3A_67 : i32
      %add3A_69 = vector.broadcast %add3A_68 : i32 to vector<16xi32>
      %add3A_70 = arith.addi %add3A_69, %select_n3A : vector<16xi32>
      %gather3A_71 = tpu.vector_load_idx %arg12[%add3A_70, %and3A_5] : memref<640x8xf32, #tpu.memory_space<vmem>>[vector<16xi32>, vector<16xi32>], vector<16xf32>,
      %gather3A_72 = tpu.vector_load_idx %arg14[%add3A_70] : memref<640xf32, #tpu.memory_space<vmem>>[vector<16xi32>], vector<16xf32>,
      %mul3A_73 = arith.mulf %gather3A_71, %gather3A_72 : vector<16xf32>
      tpu.vector_store_idx %arg16[%add3A_70, %and3A_5], %mul3A_73 masked %lt3A_7 : memref<640x4xf32, #tpu.memory_space<vmem>>[vector<16xi32>, vector<16xi32>], vector<16xf32>, vector<16xi1>
      %add3A_74 = arith.constant 6 : i32
      %add3A_75 = arith.addi %mul3A_53, %add3A_74 : i32
      %add3A_76 = vector.broadcast %add3A_75 : i32 to vector<16xi32>
      %add3A_77 = arith.addi %add3A_76, %select_n3A : vector<16xi32>
      %gather3A_78 = tpu.vector_load_idx %arg12[%add3A_77, %and3A_5] : memref<640x8xf32, #tpu.memory_space<vmem>>[vector<16xi32>, vector<16xi32>], vector<16xf32>,
      %gather3A_79 = tpu.vector_load_idx %arg14[%add3A_77] : memref<640xf32, #tpu.memory_space<vmem>>[vector<16xi32>], vector<16xf32>,
      %mul3A_80 = arith.mulf %gather3A_78, %gather3A_79 : vector<16xf32>
      tpu.vector_store_idx %arg16[%add3A_77, %and3A_5], %mul3A_80 masked %lt3A_7 : memref<640x4xf32, #tpu.memory_space<vmem>>[vector<16xi32>, vector<16xi32>], vector<16xf32>, vector<16xi1>
      %add3A_81 = arith.constant 8 : i32
      %add3A_82 = arith.addi %mul3A_53, %add3A_81 : i32
      %add3A_83 = vector.broadcast %add3A_82 : i32 to vector<16xi32>
      %add3A_84 = arith.addi %add3A_83, %select_n3A : vector<16xi32>
      %gather3A_85 = tpu.vector_load_idx %arg12[%add3A_84, %and3A_5] : memref<640x8xf32, #tpu.memory_space<vmem>>[vector<16xi32>, vector<16xi32>], vector<16xf32>,
      %gather3A_86 = tpu.vector_load_idx %arg14[%add3A_84] : memref<640xf32, #tpu.memory_space<vmem>>[vector<16xi32>], vector<16xf32>,
      %mul3A_87 = arith.mulf %gather3A_85, %gather3A_86 : vector<16xf32>
      tpu.vector_store_idx %arg16[%add3A_84, %and3A_5], %mul3A_87 masked %lt3A_7 : memref<640x4xf32, #tpu.memory_space<vmem>>[vector<16xi32>, vector<16xi32>], vector<16xf32>, vector<16xi1>
      %add3A_88 = arith.constant 10 : i32
      %add3A_89 = arith.addi %mul3A_53, %add3A_88 : i32
      %add3A_90 = vector.broadcast %add3A_89 : i32 to vector<16xi32>
      %add3A_91 = arith.addi %add3A_90, %select_n3A : vector<16xi32>
      %gather3A_92 = tpu.vector_load_idx %arg12[%add3A_91, %and3A_5] : memref<640x8xf32, #tpu.memory_space<vmem>>[vector<16xi32>, vector<16xi32>], vector<16xf32>,
      %gather3A_93 = tpu.vector_load_idx %arg14[%add3A_91] : memref<640xf32, #tpu.memory_space<vmem>>[vector<16xi32>], vector<16xf32>,
      %mul3A_94 = arith.mulf %gather3A_92, %gather3A_93 : vector<16xf32>
      tpu.vector_store_idx %arg16[%add3A_91, %and3A_5], %mul3A_94 masked %lt3A_7 : memref<640x4xf32, #tpu.memory_space<vmem>>[vector<16xi32>, vector<16xi32>], vector<16xf32>, vector<16xi1>
      %add3A_95 = arith.constant 12 : i32
      %add3A_96 = arith.addi %mul3A_53, %add3A_95 : i32
      %add3A_97 = vector.broadcast %add3A_96 : i32 to vector<16xi32>
      %add3A_98 = arith.addi %add3A_97, %select_n3A : vector<16xi32>
      %gather3A_99 = tpu.vector_load_idx %arg12[%add3A_98, %and3A_5] : memref<640x8xf32, #tpu.memory_space<vmem>>[vector<16xi32>, vector<16xi32>], vector<16xf32>,
      %gather3A_100 = tpu.vector_load_idx %arg14[%add3A_98] : memref<640xf32, #tpu.memory_space<vmem>>[vector<16xi32>], vector<16xf32>,
      %mul3A_101 = arith.mulf %gather3A_99, %gather3A_100 : vector<16xf32>
      tpu.vector_store_idx %arg16[%add3A_98, %and3A_5], %mul3A_101 masked %lt3A_7 : memref<640x4xf32, #tpu.memory_space<vmem>>[vector<16xi32>, vector<16xi32>], vector<16xf32>, vector<16xi1>
      %add3A_102 = arith.constant 14 : i32
      %add3A_103 = arith.addi %mul3A_53, %add3A_102 : i32
      %add3A_104 = vector.broadcast %add3A_103 : i32 to vector<16xi32>
      %add3A_105 = arith.addi %add3A_104, %select_n3A : vector<16xi32>
      %gather3A_106 = tpu.vector_load_idx %arg12[%add3A_105, %and3A_5] : memref<640x8xf32, #tpu.memory_space<vmem>>[vector<16xi32>, vector<16xi32>], vector<16xf32>,
      %gather3A_107 = tpu.vector_load_idx %arg14[%add3A_105] : memref<640xf32, #tpu.memory_space<vmem>>[vector<16xi32>], vector<16xf32>,
      %mul3A_108 = arith.mulf %gather3A_106, %gather3A_107 : vector<16xf32>
      tpu.vector_store_idx %arg16[%add3A_105, %and3A_5], %mul3A_108 masked %lt3A_7 : memref<640x4xf32, #tpu.memory_space<vmem>>[vector<16xi32>, vector<16xi32>], vector<16xf32>, vector<16xi1>
    }
    %scan3A_50 = arith.constant 40 : i32
    "tpu.region"() ({
      %run_scoped3A_51 = tpu.sem_alloc : memref<!tpu.dma_semaphore, #tpu.memory_space<semaphore_mem>>
      %dma_start3A_52 = arith.constant 0 : i32
      %dma_start3A_53 = tpu.memref_slice %arg7[%arg0, %mul3A_2, %dma_start3A_52] : memref<2x10240x4xf32, #tpu.memory_space<hbm>> -> memref<1x640x4xf32, #tpu.memory_space<hbm>>
      %dma_start3A_54 = tpu.memref_squeeze %dma_start3A_53 : memref<1x640x4xf32, #tpu.memory_space<hbm>> -> memref<640x4xf32, #tpu.memory_space<hbm>>
      %dma_start3A_55 = arith.constant 0 : i32
      %dma_start3A_56 = tpu.memref_slice %arg7[%arg0, %mul3A_2, %dma_start3A_55] : memref<2x10240x4xf32, #tpu.memory_space<hbm>> -> memref<1x640x4xf32, #tpu.memory_space<hbm>>
      %dma_start3A_57 = tpu.memref_squeeze %dma_start3A_56 : memref<1x640x4xf32, #tpu.memory_space<hbm>> -> memref<640x4xf32, #tpu.memory_space<hbm>>
      tpu.enqueue_dma source(%arg16 : memref<640x4xf32, #tpu.memory_space<vmem>>) target(%dma_start3A_57 : memref<640x4xf32, #tpu.memory_space<hbm>>) target_semaphore(%run_scoped3A_51 : memref<!tpu.dma_semaphore, #tpu.memory_space<semaphore_mem>>)
      %dma_wait3A_58 = arith.constant 0 : i32
      %dma_wait3A_59 = tpu.memref_slice %arg7[%arg0, %mul3A_2, %dma_wait3A_58] : memref<2x10240x4xf32, #tpu.memory_space<hbm>> -> memref<1x640x4xf32, #tpu.memory_space<hbm>>
      %dma_wait3A_60 = tpu.memref_squeeze %dma_wait3A_59 : memref<1x640x4xf32, #tpu.memory_space<hbm>> -> memref<640x4xf32, #tpu.memory_space<hbm>>
      %dma_wait3A_61 = arith.constant 0 : i32
      %dma_wait3A_62 = tpu.memref_slice %arg7[%arg0, %mul3A_2, %dma_wait3A_61] : memref<2x10240x4xf32, #tpu.memory_space<hbm>> -> memref<1x640x4xf32, #tpu.memory_space<hbm>>
      %dma_wait3A_63 = tpu.memref_squeeze %dma_wait3A_62 : memref<1x640x4xf32, #tpu.memory_space<hbm>> -> memref<640x4xf32, #tpu.memory_space<hbm>>
      tpu.wait_dma2 semaphore(%run_scoped3A_51 : memref<!tpu.dma_semaphore, #tpu.memory_space<semaphore_mem>>) src(%arg16 : memref<640x4xf32, #tpu.memory_space<vmem>>) dst(%dma_wait3A_63 : memref<640x4xf32, #tpu.memory_space<hbm>>)
      tpu.yield
    }) : () -> ()
    return
  }
}

#map = affine_map<(d0, d1) -> (0, 0, 0)>
#map1 = affine_map<(d0, d1) -> (0, 0)>
module attributes {stable_mosaic.version = 14 : i64} {
  func.func @_deg_body(%arg0: i32, %arg1: i32, %arg2: memref<32x5x1000xi32, #tpu.memory_space<hbm>>, %arg3: memref<1000x8xf32, #tpu.memory_space<hbm>>, %arg4: memref<10240x8xf32, #tpu.memory_space<hbm>>, %arg5: memref<2x10240x8xf32, #tpu.memory_space<hbm>>, %arg6: memref<5x1000xi32, #tpu.memory_space<vmem>>, %arg7: memref<1000x8xf32, #tpu.memory_space<vmem>>, %arg8: memref<10240x8xf32, #tpu.memory_space<vmem_shared>>, %arg9: memref<!tpu.dma_semaphore, #tpu.memory_space<semaphore_mem>>) attributes {dimension_semantics = [#tpu.dimension_semantics<core_parallel>, #tpu.dimension_semantics<subcore_parallel>], iteration_bounds = array<i64: 2, 16>, scalar_prefetch = 0 : i64, scratch_operands = 4 : i64, tpu.core_type = #tpu.core_type<sc_vector_subcore>, window_params = [{transform_indices = #map}, {transform_indices = #map1}, {transform_indices = #map1}, {transform_indices = #map}]} {
    %mul3A = arith.constant 2 : i32
    %mul3A_0 = arith.muli %arg1, %mul3A : i32
    %add3A = arith.addi %mul3A_0, %arg0 : i32
    "tpu.region"() ({
      %run_scoped3A_14 = tpu.sem_alloc : memref<!tpu.dma_semaphore, #tpu.memory_space<semaphore_mem>>
      %dma_start3A = arith.constant 0 : i32
      %dma_start3A_15 = arith.constant 0 : i32
      %dma_start3A_16 = tpu.memref_slice %arg2[%add3A, %dma_start3A, %dma_start3A_15] : memref<32x5x1000xi32, #tpu.memory_space<hbm>> -> memref<1x5x1000xi32, #tpu.memory_space<hbm>>
      %dma_start3A_17 = tpu.memref_squeeze %dma_start3A_16 : memref<1x5x1000xi32, #tpu.memory_space<hbm>> -> memref<5x1000xi32, #tpu.memory_space<hbm>>
      %dma_start3A_18 = arith.constant 0 : i32
      %dma_start3A_19 = arith.constant 0 : i32
      %dma_start3A_20 = tpu.memref_slice %arg2[%add3A, %dma_start3A_18, %dma_start3A_19] : memref<32x5x1000xi32, #tpu.memory_space<hbm>> -> memref<1x5x1000xi32, #tpu.memory_space<hbm>>
      %dma_start3A_21 = tpu.memref_squeeze %dma_start3A_20 : memref<1x5x1000xi32, #tpu.memory_space<hbm>> -> memref<5x1000xi32, #tpu.memory_space<hbm>>
      tpu.enqueue_dma source(%dma_start3A_21 : memref<5x1000xi32, #tpu.memory_space<hbm>>) target(%arg6 : memref<5x1000xi32, #tpu.memory_space<vmem>>) target_semaphore(%run_scoped3A_14 : memref<!tpu.dma_semaphore, #tpu.memory_space<semaphore_mem>>)
      %dma_wait3A = arith.constant 0 : i32
      %dma_wait3A_22 = arith.constant 0 : i32
      %dma_wait3A_23 = tpu.memref_slice %arg2[%add3A, %dma_wait3A, %dma_wait3A_22] : memref<32x5x1000xi32, #tpu.memory_space<hbm>> -> memref<1x5x1000xi32, #tpu.memory_space<hbm>>
      %dma_wait3A_24 = tpu.memref_squeeze %dma_wait3A_23 : memref<1x5x1000xi32, #tpu.memory_space<hbm>> -> memref<5x1000xi32, #tpu.memory_space<hbm>>
      %dma_wait3A_25 = arith.constant 0 : i32
      %dma_wait3A_26 = arith.constant 0 : i32
      %dma_wait3A_27 = tpu.memref_slice %arg2[%add3A, %dma_wait3A_25, %dma_wait3A_26] : memref<32x5x1000xi32, #tpu.memory_space<hbm>> -> memref<1x5x1000xi32, #tpu.memory_space<hbm>>
      %dma_wait3A_28 = tpu.memref_squeeze %dma_wait3A_27 : memref<1x5x1000xi32, #tpu.memory_space<hbm>> -> memref<5x1000xi32, #tpu.memory_space<hbm>>
      tpu.wait_dma2 semaphore(%run_scoped3A_14 : memref<!tpu.dma_semaphore, #tpu.memory_space<semaphore_mem>>) src(%dma_wait3A_28 : memref<5x1000xi32, #tpu.memory_space<hbm>>) dst(%arg6 : memref<5x1000xi32, #tpu.memory_space<vmem>>)
      tpu.yield
    }) : () -> ()
    "tpu.region"() ({
      %run_scoped3A_14 = tpu.sem_alloc : memref<!tpu.dma_semaphore, #tpu.memory_space<semaphore_mem>>
      tpu.enqueue_dma source(%arg3 : memref<1000x8xf32, #tpu.memory_space<hbm>>) target(%arg7 : memref<1000x8xf32, #tpu.memory_space<vmem>>) target_semaphore(%run_scoped3A_14 : memref<!tpu.dma_semaphore, #tpu.memory_space<semaphore_mem>>)
      tpu.wait_dma2 semaphore(%run_scoped3A_14 : memref<!tpu.dma_semaphore, #tpu.memory_space<semaphore_mem>>) src(%arg3 : memref<1000x8xf32, #tpu.memory_space<hbm>>) dst(%arg7 : memref<1000x8xf32, #tpu.memory_space<vmem>>)
      tpu.yield
    }) : () -> ()
    %mul3A_1 = arith.constant 640 : i32
    %mul3A_2 = arith.muli %arg1, %mul3A_1 : i32
    %mul3A_3 = arith.constant 640 : i32
    %mul3A_4 = arith.muli %arg1, %mul3A_3 : i32
    "tpu.region"() ({
      %run_scoped3A_14 = tpu.sem_alloc : memref<!tpu.dma_semaphore, #tpu.memory_space<semaphore_mem>>
      %dma_start3A = arith.constant 0 : i32
      %dma_start3A_15 = tpu.memref_slice %arg8[%mul3A_4, %dma_start3A] : memref<10240x8xf32, #tpu.memory_space<vmem_shared>> -> memref<640x8xf32, #tpu.memory_space<vmem_shared>>
      %dma_start3A_16 = arith.constant 0 : i32
      %dma_start3A_17 = tpu.memref_slice %arg4[%mul3A_2, %dma_start3A_16] : memref<10240x8xf32, #tpu.memory_space<hbm>> -> memref<640x8xf32, #tpu.memory_space<hbm>>
      tpu.enqueue_dma source(%dma_start3A_17 : memref<640x8xf32, #tpu.memory_space<hbm>>) target(%dma_start3A_15 : memref<640x8xf32, #tpu.memory_space<vmem_shared>>) target_semaphore(%run_scoped3A_14 : memref<!tpu.dma_semaphore, #tpu.memory_space<semaphore_mem>>)
      %dma_wait3A = arith.constant 0 : i32
      %dma_wait3A_18 = tpu.memref_slice %arg8[%mul3A_4, %dma_wait3A] : memref<10240x8xf32, #tpu.memory_space<vmem_shared>> -> memref<640x8xf32, #tpu.memory_space<vmem_shared>>
      %dma_wait3A_19 = arith.constant 0 : i32
      %dma_wait3A_20 = tpu.memref_slice %arg4[%mul3A_2, %dma_wait3A_19] : memref<10240x8xf32, #tpu.memory_space<hbm>> -> memref<640x8xf32, #tpu.memory_space<hbm>>
      tpu.wait_dma2 semaphore(%run_scoped3A_14 : memref<!tpu.dma_semaphore, #tpu.memory_space<semaphore_mem>>) src(%dma_wait3A_20 : memref<640x8xf32, #tpu.memory_space<hbm>>) dst(%dma_wait3A_18 : memref<640x8xf32, #tpu.memory_space<vmem_shared>>)
      tpu.yield
    }) : () -> ()
    %barrier3A = arith.constant 0 : index
    tpu.barrier barrier_id(%barrier3A)
    %run_scoped3A = arith.constant 0 : i32
    "tpu.region"() ({
      %run_scoped3A_14 = tpu.sem_alloc : memref<!tpu.dma_semaphore, #tpu.memory_space<semaphore_mem>>
      %dma_start3A = arith.constant 0 : i32
      %dma_start3A_15 = tpu.memref_slice %arg6[%run_scoped3A, %dma_start3A] : memref<5x1000xi32, #tpu.memory_space<vmem>> -> memref<1x1000xi32, #tpu.memory_space<vmem>>
      %dma_start3A_16 = tpu.memref_squeeze %dma_start3A_15 : memref<1x1000xi32, #tpu.memory_space<vmem>> -> memref<1000xi32, #tpu.memory_space<vmem>>
      %dma_start3A_17 = arith.constant 0 : i32
      %dma_start3A_18 = arith.constant 0 : i32
      %dma_start3A_19 = tpu.memref_slice %arg8[%dma_start3A_17, %dma_start3A_18] : memref<10240x8xf32, #tpu.memory_space<vmem_shared>> -> memref<10240x8xf32, #tpu.memory_space<vmem_shared>>
      tpu.enqueue_indirect_dma source(%arg7 : memref<1000x8xf32, #tpu.memory_space<vmem>>) target(%dma_start3A_19 : memref<10240x8xf32, #tpu.memory_space<vmem_shared>>) offsets(%dma_start3A_16 : memref<1000xi32, #tpu.memory_space<vmem>>) semaphore(%run_scoped3A_14 : memref<!tpu.dma_semaphore, #tpu.memory_space<semaphore_mem>>) {add = true}
      %dma_wait3A = arith.constant 0 : i32
      %dma_wait3A_20 = tpu.memref_slice %arg6[%run_scoped3A, %dma_wait3A] : memref<5x1000xi32, #tpu.memory_space<vmem>> -> memref<1x1000xi32, #tpu.memory_space<vmem>>
      %dma_wait3A_21 = tpu.memref_squeeze %dma_wait3A_20 : memref<1x1000xi32, #tpu.memory_space<vmem>> -> memref<1000xi32, #tpu.memory_space<vmem>>
      %dma_wait3A_22 = arith.constant 0 : i32
      %dma_wait3A_23 = arith.constant 0 : i32
      %dma_wait3A_24 = tpu.memref_slice %arg8[%dma_wait3A_22, %dma_wait3A_23] : memref<10240x8xf32, #tpu.memory_space<vmem_shared>> -> memref<10240x8xf32, #tpu.memory_space<vmem_shared>>
      tpu.wait_indirect_dma semaphore(%run_scoped3A_14 : memref<!tpu.dma_semaphore, #tpu.memory_space<semaphore_mem>>) src(%arg7 : memref<1000x8xf32, #tpu.memory_space<vmem>>) dst(%dma_wait3A_24 : memref<10240x8xf32, #tpu.memory_space<vmem_shared>>)
      tpu.yield
    }) : () -> ()
    %run_scoped3A_5 = arith.constant 1 : i32
    "tpu.region"() ({
      %run_scoped3A_14 = tpu.sem_alloc : memref<!tpu.dma_semaphore, #tpu.memory_space<semaphore_mem>>
      %dma_start3A = arith.constant 0 : i32
      %dma_start3A_15 = tpu.memref_slice %arg6[%run_scoped3A_5, %dma_start3A] : memref<5x1000xi32, #tpu.memory_space<vmem>> -> memref<1x1000xi32, #tpu.memory_space<vmem>>
      %dma_start3A_16 = tpu.memref_squeeze %dma_start3A_15 : memref<1x1000xi32, #tpu.memory_space<vmem>> -> memref<1000xi32, #tpu.memory_space<vmem>>
      %dma_start3A_17 = arith.constant 0 : i32
      %dma_start3A_18 = arith.constant 0 : i32
      %dma_start3A_19 = tpu.memref_slice %arg8[%dma_start3A_17, %dma_start3A_18] : memref<10240x8xf32, #tpu.memory_space<vmem_shared>> -> memref<10240x8xf32, #tpu.memory_space<vmem_shared>>
      tpu.enqueue_indirect_dma source(%arg7 : memref<1000x8xf32, #tpu.memory_space<vmem>>) target(%dma_start3A_19 : memref<10240x8xf32, #tpu.memory_space<vmem_shared>>) offsets(%dma_start3A_16 : memref<1000xi32, #tpu.memory_space<vmem>>) semaphore(%run_scoped3A_14 : memref<!tpu.dma_semaphore, #tpu.memory_space<semaphore_mem>>) {add = true}
      %dma_wait3A = arith.constant 0 : i32
      %dma_wait3A_20 = tpu.memref_slice %arg6[%run_scoped3A_5, %dma_wait3A] : memref<5x1000xi32, #tpu.memory_space<vmem>> -> memref<1x1000xi32, #tpu.memory_space<vmem>>
      %dma_wait3A_21 = tpu.memref_squeeze %dma_wait3A_20 : memref<1x1000xi32, #tpu.memory_space<vmem>> -> memref<1000xi32, #tpu.memory_space<vmem>>
      %dma_wait3A_22 = arith.constant 0 : i32
      %dma_wait3A_23 = arith.constant 0 : i32
      %dma_wait3A_24 = tpu.memref_slice %arg8[%dma_wait3A_22, %dma_wait3A_23] : memref<10240x8xf32, #tpu.memory_space<vmem_shared>> -> memref<10240x8xf32, #tpu.memory_space<vmem_shared>>
      tpu.wait_indirect_dma semaphore(%run_scoped3A_14 : memref<!tpu.dma_semaphore, #tpu.memory_space<semaphore_mem>>) src(%arg7 : memref<1000x8xf32, #tpu.memory_space<vmem>>) dst(%dma_wait3A_24 : memref<10240x8xf32, #tpu.memory_space<vmem_shared>>)
      tpu.yield
    }) : () -> ()
    %run_scoped3A_6 = arith.constant 2 : i32
    "tpu.region"() ({
      %run_scoped3A_14 = tpu.sem_alloc : memref<!tpu.dma_semaphore, #tpu.memory_space<semaphore_mem>>
      %dma_start3A = arith.constant 0 : i32
      %dma_start3A_15 = tpu.memref_slice %arg6[%run_scoped3A_6, %dma_start3A] : memref<5x1000xi32, #tpu.memory_space<vmem>> -> memref<1x1000xi32, #tpu.memory_space<vmem>>
      %dma_start3A_16 = tpu.memref_squeeze %dma_start3A_15 : memref<1x1000xi32, #tpu.memory_space<vmem>> -> memref<1000xi32, #tpu.memory_space<vmem>>
      %dma_start3A_17 = arith.constant 0 : i32
      %dma_start3A_18 = arith.constant 0 : i32
      %dma_start3A_19 = tpu.memref_slice %arg8[%dma_start3A_17, %dma_start3A_18] : memref<10240x8xf32, #tpu.memory_space<vmem_shared>> -> memref<10240x8xf32, #tpu.memory_space<vmem_shared>>
      tpu.enqueue_indirect_dma source(%arg7 : memref<1000x8xf32, #tpu.memory_space<vmem>>) target(%dma_start3A_19 : memref<10240x8xf32, #tpu.memory_space<vmem_shared>>) offsets(%dma_start3A_16 : memref<1000xi32, #tpu.memory_space<vmem>>) semaphore(%run_scoped3A_14 : memref<!tpu.dma_semaphore, #tpu.memory_space<semaphore_mem>>) {add = true}
      %dma_wait3A = arith.constant 0 : i32
      %dma_wait3A_20 = tpu.memref_slice %arg6[%run_scoped3A_6, %dma_wait3A] : memref<5x1000xi32, #tpu.memory_space<vmem>> -> memref<1x1000xi32, #tpu.memory_space<vmem>>
      %dma_wait3A_21 = tpu.memref_squeeze %dma_wait3A_20 : memref<1x1000xi32, #tpu.memory_space<vmem>> -> memref<1000xi32, #tpu.memory_space<vmem>>
      %dma_wait3A_22 = arith.constant 0 : i32
      %dma_wait3A_23 = arith.constant 0 : i32
      %dma_wait3A_24 = tpu.memref_slice %arg8[%dma_wait3A_22, %dma_wait3A_23] : memref<10240x8xf32, #tpu.memory_space<vmem_shared>> -> memref<10240x8xf32, #tpu.memory_space<vmem_shared>>
      tpu.wait_indirect_dma semaphore(%run_scoped3A_14 : memref<!tpu.dma_semaphore, #tpu.memory_space<semaphore_mem>>) src(%arg7 : memref<1000x8xf32, #tpu.memory_space<vmem>>) dst(%dma_wait3A_24 : memref<10240x8xf32, #tpu.memory_space<vmem_shared>>)
      tpu.yield
    }) : () -> ()
    %run_scoped3A_7 = arith.constant 3 : i32
    "tpu.region"() ({
      %run_scoped3A_14 = tpu.sem_alloc : memref<!tpu.dma_semaphore, #tpu.memory_space<semaphore_mem>>
      %dma_start3A = arith.constant 0 : i32
      %dma_start3A_15 = tpu.memref_slice %arg6[%run_scoped3A_7, %dma_start3A] : memref<5x1000xi32, #tpu.memory_space<vmem>> -> memref<1x1000xi32, #tpu.memory_space<vmem>>
      %dma_start3A_16 = tpu.memref_squeeze %dma_start3A_15 : memref<1x1000xi32, #tpu.memory_space<vmem>> -> memref<1000xi32, #tpu.memory_space<vmem>>
      %dma_start3A_17 = arith.constant 0 : i32
      %dma_start3A_18 = arith.constant 0 : i32
      %dma_start3A_19 = tpu.memref_slice %arg8[%dma_start3A_17, %dma_start3A_18] : memref<10240x8xf32, #tpu.memory_space<vmem_shared>> -> memref<10240x8xf32, #tpu.memory_space<vmem_shared>>
      tpu.enqueue_indirect_dma source(%arg7 : memref<1000x8xf32, #tpu.memory_space<vmem>>) target(%dma_start3A_19 : memref<10240x8xf32, #tpu.memory_space<vmem_shared>>) offsets(%dma_start3A_16 : memref<1000xi32, #tpu.memory_space<vmem>>) semaphore(%run_scoped3A_14 : memref<!tpu.dma_semaphore, #tpu.memory_space<semaphore_mem>>) {add = true}
      %dma_wait3A = arith.constant 0 : i32
      %dma_wait3A_20 = tpu.memref_slice %arg6[%run_scoped3A_7, %dma_wait3A] : memref<5x1000xi32, #tpu.memory_space<vmem>> -> memref<1x1000xi32, #tpu.memory_space<vmem>>
      %dma_wait3A_21 = tpu.memref_squeeze %dma_wait3A_20 : memref<1x1000xi32, #tpu.memory_space<vmem>> -> memref<1000xi32, #tpu.memory_space<vmem>>
      %dma_wait3A_22 = arith.constant 0 : i32
      %dma_wait3A_23 = arith.constant 0 : i32
      %dma_wait3A_24 = tpu.memref_slice %arg8[%dma_wait3A_22, %dma_wait3A_23] : memref<10240x8xf32, #tpu.memory_space<vmem_shared>> -> memref<10240x8xf32, #tpu.memory_space<vmem_shared>>
      tpu.wait_indirect_dma semaphore(%run_scoped3A_14 : memref<!tpu.dma_semaphore, #tpu.memory_space<semaphore_mem>>) src(%arg7 : memref<1000x8xf32, #tpu.memory_space<vmem>>) dst(%dma_wait3A_24 : memref<10240x8xf32, #tpu.memory_space<vmem_shared>>)
      tpu.yield
    }) : () -> ()
    %run_scoped3A_8 = arith.constant 4 : i32
    "tpu.region"() ({
      %run_scoped3A_14 = tpu.sem_alloc : memref<!tpu.dma_semaphore, #tpu.memory_space<semaphore_mem>>
      %dma_start3A = arith.constant 0 : i32
      %dma_start3A_15 = tpu.memref_slice %arg6[%run_scoped3A_8, %dma_start3A] : memref<5x1000xi32, #tpu.memory_space<vmem>> -> memref<1x1000xi32, #tpu.memory_space<vmem>>
      %dma_start3A_16 = tpu.memref_squeeze %dma_start3A_15 : memref<1x1000xi32, #tpu.memory_space<vmem>> -> memref<1000xi32, #tpu.memory_space<vmem>>
      %dma_start3A_17 = arith.constant 0 : i32
      %dma_start3A_18 = arith.constant 0 : i32
      %dma_start3A_19 = tpu.memref_slice %arg8[%dma_start3A_17, %dma_start3A_18] : memref<10240x8xf32, #tpu.memory_space<vmem_shared>> -> memref<10240x8xf32, #tpu.memory_space<vmem_shared>>
      tpu.enqueue_indirect_dma source(%arg7 : memref<1000x8xf32, #tpu.memory_space<vmem>>) target(%dma_start3A_19 : memref<10240x8xf32, #tpu.memory_space<vmem_shared>>) offsets(%dma_start3A_16 : memref<1000xi32, #tpu.memory_space<vmem>>) semaphore(%run_scoped3A_14 : memref<!tpu.dma_semaphore, #tpu.memory_space<semaphore_mem>>) {add = true}
      %dma_wait3A = arith.constant 0 : i32
      %dma_wait3A_20 = tpu.memref_slice %arg6[%run_scoped3A_8, %dma_wait3A] : memref<5x1000xi32, #tpu.memory_space<vmem>> -> memref<1x1000xi32, #tpu.memory_space<vmem>>
      %dma_wait3A_21 = tpu.memref_squeeze %dma_wait3A_20 : memref<1x1000xi32, #tpu.memory_space<vmem>> -> memref<1000xi32, #tpu.memory_space<vmem>>
      %dma_wait3A_22 = arith.constant 0 : i32
      %dma_wait3A_23 = arith.constant 0 : i32
      %dma_wait3A_24 = tpu.memref_slice %arg8[%dma_wait3A_22, %dma_wait3A_23] : memref<10240x8xf32, #tpu.memory_space<vmem_shared>> -> memref<10240x8xf32, #tpu.memory_space<vmem_shared>>
      tpu.wait_indirect_dma semaphore(%run_scoped3A_14 : memref<!tpu.dma_semaphore, #tpu.memory_space<semaphore_mem>>) src(%arg7 : memref<1000x8xf32, #tpu.memory_space<vmem>>) dst(%dma_wait3A_24 : memref<10240x8xf32, #tpu.memory_space<vmem_shared>>)
      tpu.yield
    }) : () -> ()
    %barrier3A_9 = arith.constant 0 : index
    tpu.barrier barrier_id(%barrier3A_9)
    %mul3A_10 = arith.constant 640 : i32
    %mul3A_11 = arith.muli %arg1, %mul3A_10 : i32
    %mul3A_12 = arith.constant 640 : i32
    %mul3A_13 = arith.muli %arg1, %mul3A_12 : i32
    "tpu.region"() ({
      %run_scoped3A_14 = tpu.sem_alloc : memref<!tpu.dma_semaphore, #tpu.memory_space<semaphore_mem>>
      %dma_start3A = arith.constant 0 : i32
      %dma_start3A_15 = tpu.memref_slice %arg5[%arg0, %mul3A_13, %dma_start3A] : memref<2x10240x8xf32, #tpu.memory_space<hbm>> -> memref<1x640x8xf32, #tpu.memory_space<hbm>>
      %dma_start3A_16 = tpu.memref_squeeze %dma_start3A_15 : memref<1x640x8xf32, #tpu.memory_space<hbm>> -> memref<640x8xf32, #tpu.memory_space<hbm>>
      %dma_start3A_17 = arith.constant 0 : i32
      %dma_start3A_18 = tpu.memref_slice %arg8[%mul3A_11, %dma_start3A_17] : memref<10240x8xf32, #tpu.memory_space<vmem_shared>> -> memref<640x8xf32, #tpu.memory_space<vmem_shared>>
      tpu.enqueue_dma source(%dma_start3A_18 : memref<640x8xf32, #tpu.memory_space<vmem_shared>>) target(%dma_start3A_16 : memref<640x8xf32, #tpu.memory_space<hbm>>) target_semaphore(%run_scoped3A_14 : memref<!tpu.dma_semaphore, #tpu.memory_space<semaphore_mem>>)
      %dma_wait3A = arith.constant 0 : i32
      %dma_wait3A_19 = tpu.memref_slice %arg5[%arg0, %mul3A_13, %dma_wait3A] : memref<2x10240x8xf32, #tpu.memory_space<hbm>> -> memref<1x640x8xf32, #tpu.memory_space<hbm>>
      %dma_wait3A_20 = tpu.memref_squeeze %dma_wait3A_19 : memref<1x640x8xf32, #tpu.memory_space<hbm>> -> memref<640x8xf32, #tpu.memory_space<hbm>>
      %dma_wait3A_21 = arith.constant 0 : i32
      %dma_wait3A_22 = tpu.memref_slice %arg8[%mul3A_11, %dma_wait3A_21] : memref<10240x8xf32, #tpu.memory_space<vmem_shared>> -> memref<640x8xf32, #tpu.memory_space<vmem_shared>>
      tpu.wait_dma2 semaphore(%run_scoped3A_14 : memref<!tpu.dma_semaphore, #tpu.memory_space<semaphore_mem>>) src(%dma_wait3A_22 : memref<640x8xf32, #tpu.memory_space<vmem_shared>>) dst(%dma_wait3A_20 : memref<640x8xf32, #tpu.memory_space<hbm>>)
      tpu.yield
    }) : () -> ()
    return
  }
}

module attributes {stable_mosaic.version = 14 : i64} {
  func.func @_mm_kernel(%arg0: i32, %arg1: memref<2048x256xf32, #tpu.memory_space<vmem>>, %arg2: memref<256x3xf32, #tpu.memory_space<vmem>>, %arg3: memref<2048x4xf32, #tpu.memory_space<vmem>>) attributes {dimension_semantics = [#tpu.dimension_semantics<arbitrary>], iteration_bounds = array<i64: 5>, scalar_prefetch = 0 : i64, scratch_operands = 0 : i64, tpu.core_type = #tpu.core_type<tc>, window_params = [{transform_indices = @transform_0, window_bounds = array<i64: 2048, 256>}, {pipeline_mode = #tpu.pipeline_mode<synchronous>, transform_indices = @transform_1, window_bounds = array<i64: 256, 3>}, {transform_indices = @transform_2, window_bounds = array<i64: 2048, 4>}]} {
    %get3A = arith.constant 0 : index
    %get3A_0 = arith.constant 0 : index
    %get3A_1 = vector.load %arg1[%get3A, %get3A_0] : memref<2048x256xf32, #tpu.memory_space<vmem>>, vector<2048x256xf32>
    %get3A_2 = arith.constant 0 : index
    %get3A_3 = arith.constant 0 : index
    %get3A_4 = vector.load %arg2[%get3A_2, %get3A_3] : memref<256x3xf32, #tpu.memory_space<vmem>>, vector<256x3xf32>
    %dot_general3A = arith.constant dense<0.000000e+00> : vector<2048x3xf32>
    %dot_general3A_5 = tpu.matmul %get3A_1, %get3A_4, %dot_general3A {dimension_numbers = #tpu.dot_dimension_numbers<[1], [0], [0], [1], [0, 0, 1, 1], [], []>, transpose_lhs_hint = false} : vector<2048x256xf32>, vector<256x3xf32>, vector<2048x3xf32> -> vector<2048x3xf32>
    %broadcast_in_dim3A = arith.constant 1.000000e+00 : f32
    %broadcast_in_dim3A_6 = vector.broadcast %broadcast_in_dim3A : f32 to vector<2048x1xf32>
    %concatenate3A = tpu.concatenate %dot_general3A_5, %broadcast_in_dim3A_6 in 1 : vector<2048x3xf32>, vector<2048x1xf32> -> vector<2048x4xf32>
    %swap3A = arith.constant 0 : index
    %swap3A_7 = arith.constant 0 : index
    %swap3A_8 = vector.load %arg3[%swap3A, %swap3A_7] : memref<2048x4xf32, #tpu.memory_space<vmem>>, vector<2048x4xf32>
    tpu.vector_store %arg3[%swap3A, %swap3A_7], %concatenate3A {strides = array<i32>} : memref<2048x4xf32, #tpu.memory_space<vmem>>, vector<2048x4xf32>,
    return
  }
  func.func @transform_0(%arg0: i32) -> (i32, i32) {
    %c0_i32 = arith.constant 0 : i32
    %c0_i32_0 = arith.constant 0 : i32
    return %arg0, %c0_i32 : i32, i32
  }
  func.func @transform_1(%arg0: i32) -> (i32, i32) {
    %c0_i32 = arith.constant 0 : i32
    %c0_i32_0 = arith.constant 0 : i32
    %c0_i32_1 = arith.constant 0 : i32
    return %c0_i32, %c0_i32_0 : i32, i32
  }
  func.func @transform_2(%arg0: i32) -> (i32, i32) {
    %c0_i32 = arith.constant 0 : i32
    %c0_i32_0 = arith.constant 0 : i32
    return %arg0, %c0_i32 : i32, i32
  }
}

module attributes {stable_mosaic.version = 14 : i64} {
  func.func @_final_kernel(%arg0: i32, %arg1: memref<2x2000x4xf32, #tpu.memory_space<vmem>>, %arg2: memref<1x3xf32, #tpu.memory_space<vmem>>, %arg3: memref<3x64xf32, #tpu.memory_space<vmem>>, %arg4: memref<1x64xf32, #tpu.memory_space<vmem>>, %arg5: memref<2000x3xf32, #tpu.memory_space<vmem>>, %arg6: memref<2000x64xf32, #tpu.memory_space<vmem>>) attributes {dimension_semantics = [#tpu.dimension_semantics<arbitrary>], iteration_bounds = array<i64: 5>, scalar_prefetch = 0 : i64, scratch_operands = 0 : i64, tpu.core_type = #tpu.core_type<tc>, window_params = [{transform_indices = @transform_0, window_bounds = array<i64: 2, 2000, 4>}, {pipeline_mode = #tpu.pipeline_mode<synchronous>, transform_indices = @transform_1, window_bounds = array<i64: 1, 3>}, {pipeline_mode = #tpu.pipeline_mode<synchronous>, transform_indices = @transform_2, window_bounds = array<i64: 3, 64>}, {pipeline_mode = #tpu.pipeline_mode<synchronous>, transform_indices = @transform_3, window_bounds = array<i64: 1, 64>}, {transform_indices = @transform_4, window_bounds = array<i64: 2000, 3>}, {transform_indices = @transform_5, window_bounds = array<i64: 2000, 64>}]} {
    %get3A = arith.constant 0 : index
    %get3A_0 = arith.constant 0 : index
    %get3A_1 = arith.constant 0 : index
    %get3A_2 = vector.load %arg1[%get3A, %get3A_0, %get3A_1] : memref<2x2000x4xf32, #tpu.memory_space<vmem>>, vector<1x2000x3xf32>
    %get3A_3 = vector.shape_cast %get3A_2 : vector<1x2000x3xf32> to vector<2000x3xf32>
    %get3A_4 = arith.constant 1 : index
    %get3A_5 = arith.constant 0 : index
    %get3A_6 = arith.constant 0 : index
    %get3A_7 = vector.load %arg1[%get3A_4, %get3A_5, %get3A_6] : memref<2x2000x4xf32, #tpu.memory_space<vmem>>, vector<1x2000x3xf32>
    %get3A_8 = vector.shape_cast %get3A_7 : vector<1x2000x3xf32> to vector<2000x3xf32>
    %add3A = arith.addf %get3A_3, %get3A_8 : vector<2000x3xf32>
    %get3A_9 = arith.constant 0 : index
    %get3A_10 = arith.constant 0 : index
    %get3A_11 = vector.load %arg2[%get3A_9, %get3A_10] : memref<1x3xf32, #tpu.memory_space<vmem>>, vector<1x3xf32>
    %add3A_12 = vector.broadcast %get3A_11 : vector<1x3xf32> to vector<2000x3xf32>
    %add3A_13 = arith.addf %add3A, %add3A_12 : vector<2000x3xf32>
    %max3A = arith.constant 0.000000e+00 : f32
    %max3A_14 = vector.broadcast %max3A : f32 to vector<2000x3xf32>
    %max3A_15 = arith.maximumf %add3A_13, %max3A_14 : vector<2000x3xf32>
    %swap3A = arith.constant 0 : index
    %swap3A_16 = arith.constant 0 : index
    %swap3A_17 = vector.load %arg5[%swap3A, %swap3A_16] : memref<2000x3xf32, #tpu.memory_space<vmem>>, vector<2000x3xf32>
    tpu.vector_store %arg5[%swap3A, %swap3A_16], %max3A_15 {strides = array<i32>} : memref<2000x3xf32, #tpu.memory_space<vmem>>, vector<2000x3xf32>,
    %get3A_18 = arith.constant 0 : index
    %get3A_19 = arith.constant 0 : index
    %get3A_20 = vector.load %arg3[%get3A_18, %get3A_19] : memref<3x64xf32, #tpu.memory_space<vmem>>, vector<3x64xf32>
    %dot_general3A = arith.constant dense<0.000000e+00> : vector<2000x64xf32>
    %dot_general3A_21 = tpu.matmul %max3A_15, %get3A_20, %dot_general3A {dimension_numbers = #tpu.dot_dimension_numbers<[1], [0], [0], [1], [0, 0, 1, 1], [], []>, transpose_lhs_hint = false} : vector<2000x3xf32>, vector<3x64xf32>, vector<2000x64xf32> -> vector<2000x64xf32>
    %get3A_22 = arith.constant 0 : index
    %get3A_23 = arith.constant 0 : index
    %get3A_24 = vector.load %arg4[%get3A_22, %get3A_23] : memref<1x64xf32, #tpu.memory_space<vmem>>, vector<1x64xf32>
    %add3A_25 = vector.broadcast %get3A_24 : vector<1x64xf32> to vector<2000x64xf32>
    %add3A_26 = arith.addf %dot_general3A_21, %add3A_25 : vector<2000x64xf32>
    %swap3A_27 = arith.constant 0 : index
    %swap3A_28 = arith.constant 0 : index
    %swap3A_29 = vector.load %arg6[%swap3A_27, %swap3A_28] : memref<2000x64xf32, #tpu.memory_space<vmem>>, vector<2000x64xf32>
    tpu.vector_store %arg6[%swap3A_27, %swap3A_28], %add3A_26 {strides = array<i32>} : memref<2000x64xf32, #tpu.memory_space<vmem>>, vector<2000x64xf32>,
    return
  }
  func.func @transform_0(%arg0: i32) -> (i32, i32, i32) {
    %c0_i32 = arith.constant 0 : i32
    %c0_i32_0 = arith.constant 0 : i32
    %c0_i32_1 = arith.constant 0 : i32
    return %c0_i32, %arg0, %c0_i32_0 : i32, i32, i32
  }
  func.func @transform_1(%arg0: i32) -> (i32, i32) {
    %c0_i32 = arith.constant 0 : i32
    %c0_i32_0 = arith.constant 0 : i32
    %c0_i32_1 = arith.constant 0 : i32
    return %c0_i32, %c0_i32_0 : i32, i32
  }
  func.func @transform_2(%arg0: i32) -> (i32, i32) {
    %c0_i32 = arith.constant 0 : i32
    %c0_i32_0 = arith.constant 0 : i32
    %c0_i32_1 = arith.constant 0 : i32
    return %c0_i32, %c0_i32_0 : i32, i32
  }
  func.func @transform_3(%arg0: i32) -> (i32, i32) {
    %c0_i32 = arith.constant 0 : i32
    %c0_i32_0 = arith.constant 0 : i32
    %c0_i32_1 = arith.constant 0 : i32
    return %c0_i32, %c0_i32_0 : i32, i32
  }
  func.func @transform_4(%arg0: i32) -> (i32, i32) {
    %c0_i32 = arith.constant 0 : i32
    %c0_i32_0 = arith.constant 0 : i32
    return %arg0, %c0_i32 : i32, i32
  }
  func.func @transform_5(%arg0: i32) -> (i32, i32) {
    %c0_i32 = arith.constant 0 : i32
    %c0_i32_0 = arith.constant 0 : i32
    return %arg0, %c0_i32 : i32, i32
  }
}

</mosaic_0001>

<sc_bundles>
// kernel: kernel.6.cloned.1.call-start
scs
__scs_entry_jumppad:
0x0: {  	(pc) =	sbr.rel $0x88, $3  }
0x1: {  	(tag) =	ssettag $0x0;
	lr =	simm.s32 $0x1  }
0x2: {  	[smem:$0x3F9B] =	sst lr;
	_ =	strace $0xD0000000  }
0x3: {  	_ = 	snop  }
0x4: {  	_ = 	snop  }
0x5: {  	_ = 	snop  }
0x6: {  	_ = 	snop  }
0x7: {  	_ = 	snop  }
__scs_overlays_trampoline_lowered:
0x8: {  	[smem:$0x3FAA] =	sst s0  }
0x9: {  	[smem:$0x3FAB] =	sst s1  }
0xa: {  	[smem:$0x3FAC] =	sst s2  }
0xb: {  	[smem:$0x3FAD] =	sst s3  }
0xc: {  	[smem:$0x3FAE] =	sst s4  }
0xd: {  	[smem:$0x3FAF] =	sst s5  }
0xe: {  	[smem:$0x3FB0] =	sst s6  }
0xf: {  	[smem:$0x3FB1] =	sst s7  }
0x10: {  	[smem:$0x3FB2] =	sst s8  }
0x11: {  	[smem:$0x3FB3] =	sst s9;
	s0 =	simm.s32 @!p0 $0x0  }
0x12: {  	s1 =	sld [smem:$0x3F99];
	s0 =	simm.s32 @p0 $0x1  }
0x13: {  	[smem:$0x3FB4] =	sst s0;
	s0 =	simm.s32 @!p1 $0x0  }
0x14: {  	s2 =	sld [smem:$0x3F98];
	s0 =	simm.s32 @p1 $0x1  }
0x15: {  	[smem:$0x3FB5] =	sst s0;
	s0 =	simm.s32 @!p2 $0x0  }
0x16: {  	s3 =	sld [smem:$0x3FDB];
	s0 =	simm.s32 @p2 $0x1  }
0x17: {  	s4 =	simm.s32 $0x1BF5;
	[smem:$0x3FB7] =	sst s0  }
0x18: {  	s0 =	sld [smem:$0x3F9A];
	_ =	swait.ge [sflag:s4], $0x0  }
0x19: {  	s7 =	sld [smem:$0x3F9B]  }
0x1a: {  	s8 =	sadd.s32 $0xFFFFE003, lr  }
0x1b: {  	s9 =	sadd.s32 $0xFFFFFEF7, lr;
	s5 =	simm.s32 $0xFFFFFFFF;
	p2 =	slt.u32 s8, $0xFFFFF086  }
0x1c: {  	p1 =	slt.u32 s9, $0xF7A;
	s5 =	simm.s32 @!p2 $0x0  }
0x1d: {  	s5 =	simm.s32 @p1 $0x1;
	p0 =	seq.s32 s7, s2  }
0x1e: {  	s7 =	smul.u32 @!p0 $0xF7A, s2;
	p2 =	seq.s32 @!p0 s5, $0x0  }
0x1f: {  	s9 =	smul.u32 $0xF7A, s1;
	s8 =	simm.s32 @!p0 $0x1BF5;
	p2 =	por !p2, p0  }
0x20: {  	[sflag:s8] =	ssyncset.s32 @!p0 $0xFFFFF086;
	s6 =	sadd.s32 @!p0 s3, s7;
	s7 =	simm.s32 @!p0 $0x108  }
0x21: {  	s3 =	sadd.s32 s3, s9;
	s6 =	sadd.s32 @!p0 $0x88, s6;
	s7 =	simm.s32 @p2 $0x1082  }
0x22: {  	[simem:s7], [sflag:s8] =	dma.local @!p0 [hbm:s6], $0xF7A  }
0x23: {  	s9 =	sor.u32 $0xD0000000, s2;
	s6 =	simm.s32 $0x108;
	_ =	swait.ge @!p0 [sflag:s8], $0x0  }
0x24: {  	s3 =	sadd.s32 $0x88, s3;
	s6 =	simm.s32 @!p1 $0x1082;
	[sflag:s4] =	ssyncset.s32 $0xFFFFF086  }
0x25: {  	[simem:s6], [sflag:s4] =	dma.local [hbm:s3], $0xF7A  }
0x26: {  	[smem:$0x3F9B] =	sst s1;
	(tag) =	ssettag s2;
	_ =	strace s9  }
0x27: {  	s1 =	sld [smem:$0x3FAB]  }
0x28: {  	s2 =	sld [smem:$0x3FAC]  }
0x29: {  	s4 =	sld [smem:$0x3FAE]  }
0x2a: {  	p0 =	seq.s32 s5, $0x0;
	s5 =	sld [smem:$0x3FAF]  }
0x2b: {  	s6 =	sld [smem:$0x3FB0]  }
0x2c: {  	s7 =	sld [smem:$0x3FB1]  }
0x2d: {  	s3 =	simm.s32 $0x108;
	s8 =	sld [smem:$0x3FB2]  }
0x2e: {  	s3 =	simm.s32 @!p0 $0x1082;
	s9 =	sld [smem:$0x3FB3]  }
0x2f: {  	lr =	sadd.s32 s0, s3;
	s0 =	sld [smem:$0x3FAA]  }
0x30: {  	s3 =	sld [smem:$0x3FAD]  }
0x31: {  	[smem:$0x3FB6] =	sst s10  }
0x32: {  	s10 =	sld [smem:$0x3FB4];
	_ =	sdelay $0x3  }
0x33: {  	p0 =	seq.s32 s10, $0x1;
	s10 =	sld [smem:$0x3FB6];
	_ =	sdelay $0x3  }
0x34: {  	[smem:$0x3FB6] =	sst s10  }
0x35: {  	s10 =	sld [smem:$0x3FB5];
	_ =	sdelay $0x3  }
0x36: {  	p1 =	seq.s32 s10, $0x1;
	s10 =	sld [smem:$0x3FB6];
	_ =	sdelay $0x3  }
0x37: {  	[smem:$0x3FB6] =	sst s10  }
0x38: {  	s10 =	sld [smem:$0x3FB7]  }
0x39: {  	_ = 	snop;
	(pc) =	sbr.ind lr, $3  }
0x3a: {  	_ = 	snop  }
0x3b: {  	_ = 	snop  }
0x3c: {  	p2 =	seq.s32 s10, $0x1;
	s10 =	sld [smem:$0x3FB6]  }
0x3d: {  	_ =	shalt  }
0x3e: {  	_ =	shalt  }
0x3f: {  	_ =	shalt  }
0x40: {  	_ =	shalt  }
0x41: {  	_ =	shalt  }
0x42: {  	_ =	shalt  }
0x43: {  	_ =	shalt  }
0x44: {  	_ =	shalt  }
0x45: {  	_ =	shalt  }
0x46: {  	_ =	shalt  }
0x47: {  	_ =	shalt  }
0x48: {  	_ =	shalt  }
0x49: {  	_ =	shalt  }
0x4a: {  	_ =	shalt  }
0x4b: {  	_ =	shalt  }
0x4c: {  	_ =	shalt  }
0x4d: {  	_ =	shalt  }
0x4e: {  	_ =	shalt  }
0x4f: {  	_ =	shalt  }
0x50: {  	_ =	shalt  }
0x51: {  	_ =	shalt  }
0x52: {  	_ =	shalt  }
0x53: {  	_ =	shalt  }
0x54: {  	_ =	shalt  }
0x55: {  	_ =	shalt  }
0x56: {  	_ =	shalt  }
0x57: {  	_ =	shalt  }
0x58: {  	_ =	shalt  }
0x59: {  	_ =	shalt  }
0x5a: {  	_ =	shalt  }
0x5b: {  	_ =	shalt  }
0x5c: {  	_ =	shalt  }
0x5d: {  	_ =	shalt  }
0x5e: {  	_ =	shalt  }
0x5f: {  	_ =	shalt  }
0x60: {  	_ =	shalt  }
0x61: {  	_ =	shalt  }
0x62: {  	_ =	shalt  }
0x63: {  	_ =	shalt  }
0x64: {  	_ =	shalt  }
0x65: {  	_ =	shalt  }
0x66: {  	_ =	shalt  }
0x67: {  	_ =	shalt  }
0x68: {  	_ =	shalt  }
0x69: {  	_ =	shalt  }
0x6a: {  	_ =	shalt  }
0x6b: {  	_ =	shalt  }
0x6c: {  	_ =	shalt  }
0x6d: {  	_ =	shalt  }
0x6e: {  	_ =	shalt  }
0x6f: {  	_ =	shalt  }
0x70: {  	_ =	shalt  }
0x71: {  	_ =	shalt  }
0x72: {  	_ =	shalt  }
0x73: {  	_ =	shalt  }
0x74: {  	_ =	shalt  }
0x75: {  	_ =	shalt  }
0x76: {  	_ =	shalt  }
0x77: {  	_ =	shalt  }
0x78: {  	_ =	shalt  }
0x79: {  	_ =	shalt  }
0x7a: {  	_ =	shalt  }
0x7b: {  	_ =	shalt  }
0x7c: {  	_ =	shalt  }
0x7d: {  	_ =	shalt  }
0x7e: {  	_ =	shalt  }
0x7f: {  	_ =	shalt  }
0x80: {  	_ =	shalt  }
0x81: {  	_ =	shalt  }
0x82: {  	_ =	shalt  }
0x83: {  	_ =	shalt  }
0x84: {  	_ =	shalt  }
0x85: {  	_ =	shalt  }
0x86: {  	_ =	shalt  }
0x87: {  	_ =	shalt  }
.Lfunc_end0:
.L_simem_size_0:
called_computation_lowered:
.L_overlay_start_0:
0x88: {  	s2 =	sld [smem:$0x3FD9]  }
0x89: {  	s3 =	sld [smem:$0x3FFE];
	_ =	sdelay $0x1  }
0x8a: {  	s1 =	srdreg.scid  }
0x8b: {  	s0 =	sand.u32 $0x1, s1  }
0x8c: {  	s14 =	sshll.u32 s0, $0xA;
	s2 =	sadd.s32 s3, s2  }
0x8d: {  	s2 =	sadd.s32 s2, s14  }
0x8e: {  	[smem:$0x3FC2] =	sst s2  }
0x8f: {  	_ = 	snop  }
0x90: {  	s2 =	sld [smem:$0x3FD0];
	_ =	sdelay $0x2  }
0x91: {  	s15 =	simm.s32 $0xA;
	s4 =	simm.s32 $0x10  }
0x92: {  	[smem:s4], [sflag:s15] =	dma.local [hbm:s2], $0x1  }
0x93: {  	_ =	swait.eq [sflag:s15], $0x1  }
0x94: {  	[sflag:s15] =	ssyncset.done $0x0  }
0x95: {  	[sflag:s15] =	ssyncadd.s32 $0xFFFFFFFF  }
0x96: {  	s16 =	sld [smem:$0x10];
	(tm) =	ssettm $0x1  }
0x97: {  	s17 =	sld [smem:$0x3FFB];
	_ =	sdelay $0x3  }
0x98: {  	_ =	strace s17  }
0x99: {  	s3 =	sld [smem:$0x3FFC];
	_ =	sdelay $0x3  }
0x9a: {  	_ =	strace s3  }
0x9b: {  	s3 =	sld [smem:$0x3FFD];
	_ =	sdelay $0x3  }
0x9c: {  	_ =	strace s3  }
0x9d: {  	_ =	strace $0x8FFFFFFF  }
0x9e: {  	s18 =	sld [smem:$0x3FDB];
	_ =	sdelay $0x1  }
0x9f: {  	s19 =	simm.s32 $_scs_section_size  }
0xa0: {  	s5 =	simm.s32 $_size__tile_overlayer_lowered;
	s6 =	simm.s32 $_tile_overlayer_lowered  }
0xa1: {  	s22 =	simm.s32 $0x1BFF;
	s21 =	sshll.u32 s6, $0x1;
	s3 =	sadd.s32 s19, s18  }
0xa2: {  	s7 =	simm.s32 $0x0;
	s20 =	sshll.u32 s5, $0x1;
	s5 =	sadd.s32 s21, s3  }
0xa3: {  	[timem:s7], [sflag:s22] =	dma.local [hbm:s5], s20  }
0xa4: {  	_ =	swait.ge [sflag:s22], s20  }
0xa5: {  	s4 =	ssub.s32 $0x0, s20;
	[sflag:s22] =	ssyncset.done $0x0  }
0xa6: {  	[sflag:s22] =	ssyncadd.s32 s4;
	_ =	sdelay $0x1  }
0xa7: {  	s23 =	simm.s32 $0x1B8B  }
0xa8: {  	_ =	swait.ge [sflag:s23], $0x1  }
0xa9: {  	[sflag:s23] =	ssyncset.done $0x0  }
0xaa: {  	s25 =	simm.s32 $0x1B8E;
	s24 =	sld [smem:$0x3FFE];
	[sflag:s23] =	ssyncadd.s32 $0xFFFFFFFF  }
0xab: {  	s26 =	simm.s32 $execute0_lowered;
	[smem:$0x3FD2] =	sst s25  }
0xac: {  	s5 =	sshll.u32 s26, $0x1;
	_ =	strace $0x80000046;
	[dreg:$0x1] =	wrdreg $0xFFFFFFFF  }
0xad: {  	s28 =	simm.s32 $_size_execute0_lowered;
	s3 =	sadd.s32 s3, s5;
	[dreg:$0x0] =	wrdreg $0x0  }
0xae: {  	s5 =	sshll.u32 s28, $0x1;
	[dreg:$0x2] =	wrdreg s3  }
0xaf: {  	[dreg:$0x3] =	wrdreg s5  }
0xb0: {  	[dreg:$0x4] =	wrdreg $0xC0  }
0xb1: {  	_ =	task [dreg:s7], $0x5FFFF  }
0xb2: {  	[dreg:$0x1] =	wrdreg $0xFFFFFFFF  }
0xb3: {  	[dreg:$0x0] =	wrdreg $0x60  }
0xb4: {  	[dreg:$0x2] =	wrdreg s24  }
0xb5: {  	[dreg:$0x3] =	wrdreg s16  }
0xb6: {  	[dreg:$0x4] =	wrdreg $0x32C80  }
0xb7: {  	[dreg:$0x5] =	wrdreg $0x9  }
0xb8: {  	_ =	task.clear_ibuf [dreg:s7], $0x6FFFF;
	_ =	strace $0x90000046  }
0xb9: {  	s29 =	simm.s32 $0x9;
	_ =	strace $0x80000048  }
0xba: {  	_ =	swait.ge [sflag:s29], $0x1  }
0xbb: {  	[sflag:s29] =	ssyncadd.s32 $0xFFFFFFFF  }
0xbc: {  	_ =	strace $0x90000048  }
0xbd: {  	_ =	sfence  }
0xbe: {  	s30 =	sld [smem:$0x0];
	_ =	sdelay $0x2  }
0xbf: {  	s31 =	sshll.u32 s1, $0xD;
	s1 =	sshrl.u32 s1, $0x2  }
0xc0: {  	s3 =	sand.u32 $0x4000, s31;
	s1 =	sadd.s32 s1, s30  }
0xc1: {  	s0 =	sor.u32 s3, s0;
	s1 =	sshll.u32 s1, $0x11  }
0xc2: {  	s0 =	sor.u32 s1, s0  }
0xc3: {  	s0 =	sadd.s32 $0x8F2B, s0  }
0xc4: {  	[sflag:s0] =	ssyncadd.remote.s32 $0x1  }
0xc5: {  	_ =	sfence.sel $0xFFFF  }
0xc6: {  	[dreg:$0x0] =	wrdreg $0xFFFFFFFF;
	(pc) =	sbr.abs _section_cstart, $3  }
0xc7: {  	[dreg:$0x1] =	wrdreg $0xFFFFFFFF  }
0xc8: {  	_ =	task.clear_ibuf [dreg:s7], $0x2FFFF;
	_ =	strace $0x9FFFFFFF  }
0xc9: {  	(tm) =	ssettm $0x7FFFFFFF  }
tec
execute0_lowered:
.L_overlay_start_1:
0x0: {  	(tag) =	ssettag $0x1  }
0x1: {  	s1 =	srdreg.scid;
	s0 =	stileid.u32  }
0x2: {  	s15 =	rddreg [dreg:$0x0];
	s16 =	sand.u32 $0x1, s1;
	s30 =	sshll.u32 s0, $0x1  }
0x3: {  	s2 =	rddreg [dreg:$0x1];
	s1 =	sor.u32 s16, s30  }
0x4: {  	s3 =	rddreg [dreg:$0x2];
	s4 =	simm.s32 $0x0;
	s5 =	smul.u32 $0x271, s1  }
0x5: {  	[smem:$0x7FF] =	sst s4  }
0x6: {  	s1 =	rddreg [dreg:$0x3];
	s5 =	sadd.s32 s5, s15  }
0x7: {  	_ =	strace $0x80000047;
	s6 =	sadd.s32 $0xC00, s5;
	s5 =	simm.s32 $0x1  }
0x8: {  	[tilespmem:s4], [sflag:$0x1] =	stream.linear.gather [hbm4b:s6+s4], $0x1388, $0x38;
	[tilespmem:$0x46C8] =	vst v63  }
0x9: {  	_ =	swait.ge [sflag:s5], $0x1388  }
0xa: {  	s7 =	simm.s32 $0x1388;
	[sflag:s5] =	ssyncset.done $0x0  }
0xb: {  	s17 =	smul.u32 $0x1400, s0;
	s9 =	sshll.u32 s0, $0x6;
	[sflag:s5] =	ssyncadd.s32 $0xFFFFEC78  }
0xc: {  	[tilespmem:s7], [sflag:$0x1] =	stream.linear.gather [hbm4b:s2+s4], $0x1F40, $0x38;
	[tilespmem:$0x46C8] =	vst v63  }
0xd: {  	s9 =	sor.u32 $0x1C01, s9;
	s8 =	sshrl.u32 s17, $0x3;
	_ =	swait.ge [sflag:s5], $0x1F40  }
0xe: {  	s10 =	sadd.s32 s17, s3;
	s8 =	sadd.s32 s8, s15;
	[sflag:s5] =	ssyncset.done $0x0  }
0xf: {  	s10 =	sshrl.u32 s10, $0x3;
	s8 =	sadd.s32 $0xAC00, s8;
	[sflag:s5] =	ssyncadd.s32 $0xFFFFE0C0  }
0x10: {  	[spmem:s10], [sflag:s9] =	dma.local [hbm:s8], $0x280  }
0x11: {  	_ =	swait.ge [sflag:s5], $0x280  }
0x12: {  	[sflag:s5] =	ssyncset.done $0x0  }
0x13: {  	[sflag:s5] =	ssyncadd.s32 $0xFFFFFD80  }
0x14: {  	s11 =	simm.s32 $0x3E8;
	[bflag:$0x0] =	sbarrier.arrive $0xFFFF  }
0x15: {  	[spmem:s3] =	stream.indirect.scatter.add.f32 [tilespmem:s7], [sflag:$0x1], $0x8, s4, s11, $0xb8;
	[tilespmem:$0x46C8] =	vst v63  }
0x16: {  	_ =	swait.ge [sflag:s5], $0x1F40  }
0x17: {  	[sflag:s5] =	ssyncset.done $0x0  }
0x18: {  	[sflag:s5] =	ssyncadd.s32 $0xFFFFE0C0  }
0x19: {  	[spmem:s3] =	stream.indirect.scatter.add.f32 [tilespmem:s7], [sflag:$0x1], $0x8, s11, s11, $0xb8;
	[tilespmem:$0x46C8] =	vst v63  }
0x1a: {  	_ =	swait.ge [sflag:s5], $0x1F40  }
0x1b: {  	[sflag:s5] =	ssyncset.done $0x0  }
0x1c: {  	s12 =	simm.s32 $0x7D0;
	[sflag:s5] =	ssyncadd.s32 $0xFFFFE0C0  }
0x1d: {  	[spmem:s3] =	stream.indirect.scatter.add.f32 [tilespmem:s7], [sflag:$0x1], $0x8, s12, s11, $0xb8;
	[tilespmem:$0x46C8] =	vst v63  }
0x1e: {  	_ =	swait.ge [sflag:s5], $0x1F40  }
0x1f: {  	[sflag:s5] =	ssyncset.done $0x0  }
0x20: {  	s13 =	simm.s32 $0xBB8;
	[sflag:s5] =	ssyncadd.s32 $0xFFFFE0C0  }
0x21: {  	[spmem:s3] =	stream.indirect.scatter.add.f32 [tilespmem:s7], [sflag:$0x1], $0x8, s13, s11, $0xb8;
	[tilespmem:$0x46C8] =	vst v63  }
0x22: {  	s18 =	smul.u32 $0x14000, s16;
	s16 =	ssub.s32 $0x2, s16;
	_ =	swait.ge [sflag:s5], $0x1F40  }
0x23: {  	s31 =	sshrl.u32 s16, $0x1;
	[sflag:s5] =	ssyncset.done $0x0  }
0x24: {  	s14 =	simm.s32 $0xFA0;
	s16 =	ssub.s32 s16, s31;
	[sflag:s5] =	ssyncadd.s32 $0xFFFFE0C0  }
0x25: {  	[spmem:s3] =	stream.indirect.scatter.add.f32 [tilespmem:s7], [sflag:$0x1], $0x8, s14, s11, $0xb8;
	[tilespmem:$0x46C8] =	vst v63  }
0x26: {  	s17 =	sadd.s32 s17, s18;
	s16 =	smax.u32 s16, $0x1;
	_ =	swait.ge [sflag:s5], $0x1F40  }
0x27: {  	s17 =	sshrl.u32 s17, $0x3;
	p0 =	sne.s32 s16, $0x1;
	[sflag:s5] =	ssyncset.done $0x0  }
.Ltmp0:
0x28: {  	s15 =	sadd.s32 s17, s15;
	[sflag:s5] =	ssyncadd.s32 $0xFFFFE0C0;
	(pc) =	sbr.rel @!p0 .LBB2_2-.Ltmp0, $4  }
0x29: {  	s15 =	sadd.s32 $0xD400, s15;
	[bflag:$0x0] =	sbarrier.arrive $0xFFFF  }
0x2a: {  	[hbm:s15], [sflag:s9] =	dma.local [spmem:s10], $0x280  }
0x2b: {  	_ =	swait.ge [sflag:s5], $0x280  }
0x2c: {  	s16 =	sadd.s32 $0xFFFFFFFF, s16;
	[sflag:s5] =	ssyncset.done $0x0  }
.LBB2_1:
0x2d: {  	p0 =	sne.s32 s16, $0x1;
	s16 =	sadd.s32 $0xFFFFFFFF, s16;
	[sflag:s5] =	ssyncadd.s32 $0xFFFFFD80  }
0x2e: {  	[tilespmem:s4], [sflag:$0x1] =	stream.linear.gather [hbm4b:s6+s4], $0x1388, $0x38;
	[tilespmem:$0x46C8] =	vst v63  }
0x2f: {  	_ =	swait.ge [sflag:s5], $0x1388  }
0x30: {  	[sflag:s5] =	ssyncset.done $0x0  }
0x31: {  	[sflag:s5] =	ssyncadd.s32 $0xFFFFEC78  }
0x32: {  	[tilespmem:s7], [sflag:$0x1] =	stream.linear.gather [hbm4b:s2+s4], $0x1F40, $0x38;
	[tilespmem:$0x46C8] =	vst v63  }
0x33: {  	_ =	swait.ge [sflag:s5], $0x1F40  }
0x34: {  	[sflag:s5] =	ssyncset.done $0x0  }
0x35: {  	[sflag:s5] =	ssyncadd.s32 $0xFFFFE0C0  }
0x36: {  	[spmem:s10], [sflag:s9] =	dma.local [hbm:s8], $0x280  }
0x37: {  	_ =	swait.ge [sflag:s5], $0x280  }
0x38: {  	[sflag:s5] =	ssyncset.done $0x0  }
0x39: {  	[sflag:s5] =	ssyncadd.s32 $0xFFFFFD80  }
0x3a: {  	[bflag:$0x0] =	sbarrier.arrive $0xFFFF  }
0x3b: {  	[spmem:s3] =	stream.indirect.scatter.add.f32 [tilespmem:s7], [sflag:$0x1], $0x8, s4, s11, $0xb8;
	[tilespmem:$0x46C8] =	vst v63  }
0x3c: {  	_ =	swait.ge [sflag:s5], $0x1F40  }
0x3d: {  	[sflag:s5] =	ssyncset.done $0x0  }
0x3e: {  	[sflag:s5] =	ssyncadd.s32 $0xFFFFE0C0  }
0x3f: {  	[spmem:s3] =	stream.indirect.scatter.add.f32 [tilespmem:s7], [sflag:$0x1], $0x8, s11, s11, $0xb8;
	[tilespmem:$0x46C8] =	vst v63  }
0x40: {  	_ =	swait.ge [sflag:s5], $0x1F40  }
0x41: {  	[sflag:s5] =	ssyncset.done $0x0  }
0x42: {  	[sflag:s5] =	ssyncadd.s32 $0xFFFFE0C0  }
0x43: {  	[spmem:s3] =	stream.indirect.scatter.add.f32 [tilespmem:s7], [sflag:$0x1], $0x8, s12, s11, $0xb8;
	[tilespmem:$0x46C8] =	vst v63  }
0x44: {  	_ =	swait.ge [sflag:s5], $0x1F40  }
0x45: {  	[sflag:s5] =	ssyncset.done $0x0  }
0x46: {  	[sflag:s5] =	ssyncadd.s32 $0xFFFFE0C0  }
0x47: {  	[spmem:s3] =	stream.indirect.scatter.add.f32 [tilespmem:s7], [sflag:$0x1], $0x8, s13, s11, $0xb8;
	[tilespmem:$0x46C8] =	vst v63  }
0x48: {  	_ =	swait.ge [sflag:s5], $0x1F40  }
0x49: {  	[sflag:s5] =	ssyncset.done $0x0  }
0x4a: {  	[sflag:s5] =	ssyncadd.s32 $0xFFFFE0C0  }
0x4b: {  	[spmem:s3] =	stream.indirect.scatter.add.f32 [tilespmem:s7], [sflag:$0x1], $0x8, s14, s11, $0xb8;
	[tilespmem:$0x46C8] =	vst v63  }
0x4c: {  	_ =	swait.ge [sflag:s5], $0x1F40  }
0x4d: {  	[sflag:s5] =	ssyncset.done $0x0  }
.Ltmp1:
0x4e: {  	[sflag:s5] =	ssyncadd.s32 $0xFFFFE0C0;
	(pc) =	sbr.rel @p0 .LBB2_1-.Ltmp1, $4  }
0x4f: {  	[bflag:$0x0] =	sbarrier.arrive $0xFFFF  }
0x50: {  	[hbm:s15], [sflag:s9] =	dma.local [spmem:s10], $0x280  }
0x51: {  	_ =	swait.ge [sflag:s5], $0x280  }
0x52: {  	[sflag:s5] =	ssyncset.done $0x0  }
.LBB2_2:
0x53: {  	[sflag:s5] =	ssyncadd.s32 $0xFFFFFD80  }
0x54: {  	_ =	sfence.sel $0x180000  }
0x55: {  	[bflag:$0x0] =	sbarrier.arrive $0xFFFF  }
0x56: {  	p0 =	sne.s32 s0, $0x0;
	_ =	strace $0x90000047  }
0x57: {  	s0 =	sadd.s32 @!p0 $0x100000, s1;
	[bflag:$0x2] =	sbarrier.arrive $0xFFFF  }
0x58: {  	[sflag:s0] =	ssyncadd.tile.s32 @!p0 $0x1;
	_ =	shalt  }
.Lfunc_end2:
_tile_overlayer_lowered:
.L_overlay_start_2:
0x59: {  	(tag) =	ssettag $0x2  }
0x5a: {  	s0 =	rddreg [dreg:$0x0];
	s2 =	stileid.u32  }
0x5b: {  	s1 =	rddreg [dreg:$0x1];
	p0 =	sne.s32 s2, $0x0  }
0x5c: {  	s3 =	rddreg [dreg:$0x2];
	[bflag:$0x3] =	sbarrier.arrive $0xFFFF;
	s2 =	simm.s32 @!p0 $0x1C01  }
0x5d: {  	[timem:s3], [sflag:s2] =	dma.local @!p0 [hbm:s0], s1  }
0x5e: {  	s0 =	simm.s32 @!p0 $0x1  }
0x5f: {  	_ =	swait.ge @!p0 [sflag:s0], s1  }
0x60: {  	s1 =	ssub.s32 @!p0 $0x0, s1;
	[sflag:s0] =	ssyncset.done @!p0 $0x0  }
0x61: {  	[sflag:s0] =	ssyncadd.s32 @!p0 s1  }
0x62: {  	[bflag:$0x3] =	sbarrier.arrive $0xFFFF  }
0x63: {  	_ =	shalt  }

// kernel: kernel.9.cloned.1.call-start
scs
__scs_entry_jumppad:
0x0: {  	(pc) =	sbr.rel $0x88, $3  }
0x1: {  	(tag) =	ssettag $0x0;
	lr =	simm.s32 $0x1  }
0x2: {  	[smem:$0x3F9B] =	sst lr;
	_ =	strace $0xD0000000  }
0x3: {  	_ = 	snop  }
0x4: {  	_ = 	snop  }
0x5: {  	_ = 	snop  }
0x6: {  	_ = 	snop  }
0x7: {  	_ = 	snop  }
__scs_overlays_trampoline_lowered:
0x8: {  	[smem:$0x3FAA] =	sst s0  }
0x9: {  	[smem:$0x3FAB] =	sst s1  }
0xa: {  	[smem:$0x3FAC] =	sst s2  }
0xb: {  	[smem:$0x3FAD] =	sst s3  }
0xc: {  	[smem:$0x3FAE] =	sst s4  }
0xd: {  	[smem:$0x3FAF] =	sst s5  }
0xe: {  	[smem:$0x3FB0] =	sst s6  }
0xf: {  	[smem:$0x3FB1] =	sst s7  }
0x10: {  	[smem:$0x3FB2] =	sst s8  }
0x11: {  	[smem:$0x3FB3] =	sst s9;
	s0 =	simm.s32 @!p0 $0x0  }
0x12: {  	s1 =	sld [smem:$0x3F99];
	s0 =	simm.s32 @p0 $0x1  }
0x13: {  	[smem:$0x3FB4] =	sst s0;
	s0 =	simm.s32 @!p1 $0x0  }
0x14: {  	s2 =	sld [smem:$0x3F98];
	s0 =	simm.s32 @p1 $0x1  }
0x15: {  	[smem:$0x3FB5] =	sst s0;
	s0 =	simm.s32 @!p2 $0x0  }
0x16: {  	s3 =	sld [smem:$0x3FDB];
	s0 =	simm.s32 @p2 $0x1  }
0x17: {  	s4 =	simm.s32 $0x1BF5;
	[smem:$0x3FB7] =	sst s0  }
0x18: {  	s0 =	sld [smem:$0x3F9A];
	_ =	swait.ge [sflag:s4], $0x0  }
0x19: {  	s7 =	sld [smem:$0x3F9B]  }
0x1a: {  	s8 =	sadd.s32 $0xFFFFE003, lr  }
0x1b: {  	s9 =	sadd.s32 $0xFFFFFEF7, lr;
	s5 =	simm.s32 $0xFFFFFFFF;
	p2 =	slt.u32 s8, $0xFFFFF086  }
0x1c: {  	p1 =	slt.u32 s9, $0xF7A;
	s5 =	simm.s32 @!p2 $0x0  }
0x1d: {  	s5 =	simm.s32 @p1 $0x1;
	p0 =	seq.s32 s7, s2  }
0x1e: {  	s7 =	smul.u32 @!p0 $0xF7A, s2;
	p2 =	seq.s32 @!p0 s5, $0x0  }
0x1f: {  	s9 =	smul.u32 $0xF7A, s1;
	s8 =	simm.s32 @!p0 $0x1BF5;
	p2 =	por !p2, p0  }
0x20: {  	[sflag:s8] =	ssyncset.s32 @!p0 $0xFFFFF086;
	s6 =	sadd.s32 @!p0 s3, s7;
	s7 =	simm.s32 @!p0 $0x108  }
0x21: {  	s3 =	sadd.s32 s3, s9;
	s6 =	sadd.s32 @!p0 $0x88, s6;
	s7 =	simm.s32 @p2 $0x1082  }
0x22: {  	[simem:s7], [sflag:s8] =	dma.local @!p0 [hbm:s6], $0xF7A  }
0x23: {  	s9 =	sor.u32 $0xD0000000, s2;
	s6 =	simm.s32 $0x108;
	_ =	swait.ge @!p0 [sflag:s8], $0x0  }
0x24: {  	s3 =	sadd.s32 $0x88, s3;
	s6 =	simm.s32 @!p1 $0x1082;
	[sflag:s4] =	ssyncset.s32 $0xFFFFF086  }
0x25: {  	[simem:s6], [sflag:s4] =	dma.local [hbm:s3], $0xF7A  }
0x26: {  	[smem:$0x3F9B] =	sst s1;
	(tag) =	ssettag s2;
	_ =	strace s9  }
0x27: {  	s1 =	sld [smem:$0x3FAB]  }
0x28: {  	s2 =	sld [smem:$0x3FAC]  }
0x29: {  	s4 =	sld [smem:$0x3FAE]  }
0x2a: {  	p0 =	seq.s32 s5, $0x0;
	s5 =	sld [smem:$0x3FAF]  }
0x2b: {  	s6 =	sld [smem:$0x3FB0]  }
0x2c: {  	s7 =	sld [smem:$0x3FB1]  }
0x2d: {  	s3 =	simm.s32 $0x108;
	s8 =	sld [smem:$0x3FB2]  }
0x2e: {  	s3 =	simm.s32 @!p0 $0x1082;
	s9 =	sld [smem:$0x3FB3]  }
0x2f: {  	lr =	sadd.s32 s0, s3;
	s0 =	sld [smem:$0x3FAA]  }
0x30: {  	s3 =	sld [smem:$0x3FAD]  }
0x31: {  	[smem:$0x3FB6] =	sst s10  }
0x32: {  	s10 =	sld [smem:$0x3FB4];
	_ =	sdelay $0x3  }
0x33: {  	p0 =	seq.s32 s10, $0x1;
	s10 =	sld [smem:$0x3FB6];
	_ =	sdelay $0x3  }
0x34: {  	[smem:$0x3FB6] =	sst s10  }
0x35: {  	s10 =	sld [smem:$0x3FB5];
	_ =	sdelay $0x3  }
0x36: {  	p1 =	seq.s32 s10, $0x1;
	s10 =	sld [smem:$0x3FB6];
	_ =	sdelay $0x3  }
0x37: {  	[smem:$0x3FB6] =	sst s10  }
0x38: {  	s10 =	sld [smem:$0x3FB7]  }
0x39: {  	_ = 	snop;
	(pc) =	sbr.ind lr, $3  }
0x3a: {  	_ = 	snop  }
0x3b: {  	_ = 	snop  }
0x3c: {  	p2 =	seq.s32 s10, $0x1;
	s10 =	sld [smem:$0x3FB6]  }
0x3d: {  	_ =	shalt  }
0x3e: {  	_ =	shalt  }
0x3f: {  	_ =	shalt  }
0x40: {  	_ =	shalt  }
0x41: {  	_ =	shalt  }
0x42: {  	_ =	shalt  }
0x43: {  	_ =	shalt  }
0x44: {  	_ =	shalt  }
0x45: {  	_ =	shalt  }
0x46: {  	_ =	shalt  }
0x47: {  	_ =	shalt  }
0x48: {  	_ =	shalt  }
0x49: {  	_ =	shalt  }
0x4a: {  	_ =	shalt  }
0x4b: {  	_ =	shalt  }
0x4c: {  	_ =	shalt  }
0x4d: {  	_ =	shalt  }
0x4e: {  	_ =	shalt  }
0x4f: {  	_ =	shalt  }
0x50: {  	_ =	shalt  }
0x51: {  	_ =	shalt  }
0x52: {  	_ =	shalt  }
0x53: {  	_ =	shalt  }
0x54: {  	_ =	shalt  }
0x55: {  	_ =	shalt  }
0x56: {  	_ =	shalt  }
0x57: {  	_ =	shalt  }
0x58: {  	_ =	shalt  }
0x59: {  	_ =	shalt  }
0x5a: {  	_ =	shalt  }
0x5b: {  	_ =	shalt  }
0x5c: {  	_ =	shalt  }
0x5d: {  	_ =	shalt  }
0x5e: {  	_ =	shalt  }
0x5f: {  	_ =	shalt  }
0x60: {  	_ =	shalt  }
0x61: {  	_ =	shalt  }
0x62: {  	_ =	shalt  }
0x63: {  	_ =	shalt  }
0x64: {  	_ =	shalt  }
0x65: {  	_ =	shalt  }
0x66: {  	_ =	shalt  }
0x67: {  	_ =	shalt  }
0x68: {  	_ =	shalt  }
0x69: {  	_ =	shalt  }
0x6a: {  	_ =	shalt  }
0x6b: {  	_ =	shalt  }
0x6c: {  	_ =	shalt  }
0x6d: {  	_ =	shalt  }
0x6e: {  	_ =	shalt  }
0x6f: {  	_ =	shalt  }
0x70: {  	_ =	shalt  }
0x71: {  	_ =	shalt  }
0x72: {  	_ =	shalt  }
0x73: {  	_ =	shalt  }
0x74: {  	_ =	shalt  }
0x75: {  	_ =	shalt  }
0x76: {  	_ =	shalt  }
0x77: {  	_ =	shalt  }
0x78: {  	_ =	shalt  }
0x79: {  	_ =	shalt  }
0x7a: {  	_ =	shalt  }
0x7b: {  	_ =	shalt  }
0x7c: {  	_ =	shalt  }
0x7d: {  	_ =	shalt  }
0x7e: {  	_ =	shalt  }
0x7f: {  	_ =	shalt  }
0x80: {  	_ =	shalt  }
0x81: {  	_ =	shalt  }
0x82: {  	_ =	shalt  }
0x83: {  	_ =	shalt  }
0x84: {  	_ =	shalt  }
0x85: {  	_ =	shalt  }
0x86: {  	_ =	shalt  }
0x87: {  	_ =	shalt  }
.Lfunc_end0:
.L_simem_size_0:
called_computation.1_lowered:
.L_overlay_start_0:
0x88: {  	s2 =	sld [smem:$0x3FD9]  }
0x89: {  	s3 =	sld [smem:$0x3FFE];
	_ =	sdelay $0x1  }
0x8a: {  	s1 =	srdreg.scid  }
0x8b: {  	s0 =	sand.u32 $0x1, s1  }
0x8c: {  	s14 =	sshll.u32 s0, $0xA;
	s2 =	sadd.s32 s3, s2  }
0x8d: {  	s2 =	sadd.s32 s2, s14  }
0x8e: {  	[smem:$0x3FC2] =	sst s2  }
0x8f: {  	_ = 	snop  }
0x90: {  	s2 =	sld [smem:$0x3FD0];
	_ =	sdelay $0x2  }
0x91: {  	s15 =	simm.s32 $0xA;
	s4 =	simm.s32 $0x10  }
0x92: {  	[smem:s4], [sflag:s15] =	dma.local [hbm:s2], $0x1  }
0x93: {  	_ =	swait.eq [sflag:s15], $0x1  }
0x94: {  	[sflag:s15] =	ssyncset.done $0x0  }
0x95: {  	[sflag:s15] =	ssyncadd.s32 $0xFFFFFFFF  }
0x96: {  	s16 =	sld [smem:$0x11];
	(tm) =	ssettm $0x1  }
0x97: {  	s17 =	sld [smem:$0x3FFB];
	_ =	sdelay $0x3  }
0x98: {  	_ =	strace s17  }
0x99: {  	s3 =	sld [smem:$0x3FFC];
	_ =	sdelay $0x3  }
0x9a: {  	_ =	strace s3  }
0x9b: {  	s3 =	sld [smem:$0x3FFD];
	_ =	sdelay $0x3  }
0x9c: {  	_ =	strace s3  }
0x9d: {  	_ =	strace $0x8FFFFFFF  }
0x9e: {  	s18 =	sld [smem:$0x3FDB];
	_ =	sdelay $0x1  }
0x9f: {  	s19 =	simm.s32 $_scs_section_size  }
0xa0: {  	s5 =	simm.s32 $_size__tile_overlayer_lowered;
	s6 =	simm.s32 $_tile_overlayer_lowered  }
0xa1: {  	s22 =	simm.s32 $0x1BFF;
	s21 =	sshll.u32 s6, $0x1;
	s3 =	sadd.s32 s19, s18  }
0xa2: {  	s7 =	simm.s32 $0x0;
	s20 =	sshll.u32 s5, $0x1;
	s5 =	sadd.s32 s21, s3  }
0xa3: {  	[timem:s7], [sflag:s22] =	dma.local [hbm:s5], s20  }
0xa4: {  	_ =	swait.ge [sflag:s22], s20  }
0xa5: {  	s4 =	ssub.s32 $0x0, s20;
	[sflag:s22] =	ssyncset.done $0x0  }
0xa6: {  	[sflag:s22] =	ssyncadd.s32 s4;
	_ =	sdelay $0x1  }
0xa7: {  	s23 =	simm.s32 $0x1B8B  }
0xa8: {  	_ =	swait.ge [sflag:s23], $0x1  }
0xa9: {  	[sflag:s23] =	ssyncset.done $0x0  }
0xaa: {  	s25 =	simm.s32 $0x1B8E;
	s24 =	sld [smem:$0x3FFE];
	[sflag:s23] =	ssyncadd.s32 $0xFFFFFFFF  }
0xab: {  	s26 =	simm.s32 $execute0_lowered;
	[smem:$0x3FD2] =	sst s25  }
0xac: {  	s5 =	sshll.u32 s26, $0x1;
	_ =	strace $0x80000049;
	[dreg:$0x1] =	wrdreg $0xFFFFFFFF  }
0xad: {  	s28 =	simm.s32 $_size_execute0_lowered;
	s3 =	sadd.s32 s3, s5;
	[dreg:$0x0] =	wrdreg $0x0  }
0xae: {  	s5 =	sshll.u32 s28, $0x1;
	[dreg:$0x2] =	wrdreg s3  }
0xaf: {  	[dreg:$0x3] =	wrdreg s5  }
0xb0: {  	[dreg:$0x4] =	wrdreg $0xC0  }
0xb1: {  	_ =	task [dreg:s7], $0x5FFFF  }
0xb2: {  	[dreg:$0x1] =	wrdreg $0xFFFFFFFF  }
0xb3: {  	[dreg:$0x0] =	wrdreg $0x60  }
0xb4: {  	[dreg:$0x2] =	wrdreg s24  }
0xb5: {  	[dreg:$0x3] =	wrdreg s16  }
0xb6: {  	[dreg:$0x4] =	wrdreg $0x140500  }
0xb7: {  	[dreg:$0x5] =	wrdreg $0x12C500  }
0xb8: {  	[dreg:$0x6] =	wrdreg $0x9  }
0xb9: {  	_ =	task.clear_ibuf [dreg:s7], $0x7FFFF;
	_ =	strace $0x90000049  }
0xba: {  	s29 =	simm.s32 $0x9;
	_ =	strace $0x8000004B  }
0xbb: {  	_ =	swait.ge [sflag:s29], $0x1  }
0xbc: {  	[sflag:s29] =	ssyncadd.s32 $0xFFFFFFFF  }
0xbd: {  	_ =	strace $0x9000004B  }
0xbe: {  	_ =	sfence  }
0xbf: {  	s30 =	sld [smem:$0x0];
	_ =	sdelay $0x2  }
0xc0: {  	s31 =	sshll.u32 s1, $0xD;
	s1 =	sshrl.u32 s1, $0x2  }
0xc1: {  	s3 =	sand.u32 $0x4000, s31;
	s1 =	sadd.s32 s1, s30  }
0xc2: {  	s0 =	sor.u32 s3, s0;
	s1 =	sshll.u32 s1, $0x11  }
0xc3: {  	s0 =	sor.u32 s1, s0  }
0xc4: {  	s0 =	sadd.s32 $0x8F2B, s0  }
0xc5: {  	[sflag:s0] =	ssyncadd.remote.s32 $0x1  }
0xc6: {  	_ =	sfence.sel $0xFFFF  }
0xc7: {  	[dreg:$0x0] =	wrdreg $0xFFFFFFFF;
	(pc) =	sbr.abs _section_cstart, $3  }
0xc8: {  	[dreg:$0x1] =	wrdreg $0xFFFFFFFF  }
0xc9: {  	_ =	task.clear_ibuf [dreg:s7], $0x2FFFF;
	_ =	strace $0x9FFFFFFF  }
0xca: {  	(tm) =	ssettm $0x7FFFFFFF  }
0xcb: {  	_ =	shalt  }
tec
execute0_lowered:
.L_overlay_start_1:
0x0: {  	(tag) =	ssettag $0x1  }
0x1: {  	s0 =	rddreg [dreg:$0x0]  }
0x2: {  	s1 =	rddreg [dreg:$0x1]  }
0x3: {  	s2 =	srdreg.scid;
	s12 =	rddreg [dreg:$0x2]  }
0x4: {  	s21 =	stileid.u32;
	s14 =	rddreg [dreg:$0x3];
	s4 =	simm.s32 $0x0  }
0x5: {  	s16 =	simm.s32 $0x2;
	s17 =	simm.s32 $0x1388;
	s18 =	simm.s32 $0xC350  }
0x6: {  	s19 =	simm.s32 $0xD750;
	s20 =	simm.s32 $0xEB50;
	s23 =	simm.s32 $0xFF50  }
0x7: {  	s24 =	simm.s32 $0x101D0;
	s25 =	simm.s32 $0x2710;
	s28 =	simm.s32 $0x115D0  }
0x8: {  	s29 =	simm.s32 $0x0;
	s2 =	sand.u32 $0x1, s2;
	s13 =	smul.u32 $0x1400, s21  }
0x9: {  	s3 =	sshll.u32 s21, $0x1;
	[smem:$0x7FF] =	sst s4;
	s5 =	smul.u32 $0x280, s21  }
0xa: {  	s31 =	sshll.u32 s21, $0x6;
	s3 =	sor.u32 s2, s3;
	_ =	strace $0x8000004A  }
0xb: {  	s6 =	ssub.s32 $0x2, s2;
	s11 =	smul.u32 $0x14000, s2;
	s21 =	sor.u32 $0x1C02, s31  }
0xc: {  	vm0 =	vcmask $0x2F20;
	vm1 =	vcmask $0xF00;
	p0 =	sne.s32 s2, $0x0;
	s3 =	smul.u32 $0x271, s3;
	s8 =	sshrl.u32 s6, $0x1  }
0xd: {  	vm0 =	vmor vm1, vm0;
	s7 =	sshrl.u32 s13, $0x3;
	s15 =	ssub.s32 s6, s8;
	s26 =	sadd.s32 s13, s11  }
0xe: {  	s11 =	sadd.s32 s13, s12;
	s13 =	sadd.s32 s13, s14;
	s3 =	sadd.s32 s3, s0  }
0xf: {  	s0 =	sadd.s32 s7, s0;
	s30 =	sshrl.u32 s26, $0x3;
	s15 =	smax.u32 s15, $0x1  }
0x10: {  	s22 =	sshrl.u32 s11, $0x3;
	s26 =	simm.s32 $0x1;
	s6 =	sadd.s32 $0x5C00, s3  }
0x11: {  	v0 =	vlaneseq.u32;
	s7 =	sadd.s32 $0xC00, s3;
	s8 =	sadd.s32 $0x12400, s0;
	s9 =	sadd.s32 $0xD400, s0  }
0x12: {  	v1 =	vmul.u32 $0x8, v0;
	v2 =	vshrl.u32 v0, $0x3;
	v3 =	vand.u32 $0x7, v0;
	s10 =	sadd.s32 $0xFC00, s0;
	s12 =	sadd.s32 $0xAC00, s0;
	s14 =	sadd.s32 s1, s30  }
.LBB2_1:
0x13: {  	[tilespmem:s4], [sflag:$0x2] =	stream.linear.gather [hbm4b:s6+s4], $0x1388, $0x38;
	[tilespmem:$0x15450] =	vst v63  }
0x14: {  	_ =	swait.ge [sflag:s16], $0x1388  }
0x15: {  	[sflag:s16] =	ssyncset.done $0x0  }
0x16: {  	[sflag:s16] =	ssyncadd.s32 $0xFFFFEC78  }
0x17: {  	[tilespmem:s17], [sflag:$0x2] =	stream.linear.gather [hbm4b:s7+s4], $0x1388, $0x38;
	[tilespmem:$0x15450] =	vst v63  }
0x18: {  	_ =	swait.ge [sflag:s16], $0x1388  }
0x19: {  	[sflag:s16] =	ssyncset.done $0x0  }
0x1a: {  	[sflag:s16] =	ssyncadd.s32 $0xFFFFEC78  }
0x1b: {  	[tilespmem:s18], [sflag:$0x2] =	stream.linear.gather [hbm4b:s8+s4], $0x1400, $0x38;
	[tilespmem:$0x15450] =	vst v63  }
0x1c: {  	_ =	swait.ge [sflag:s16], $0x1400  }
0x1d: {  	[sflag:s16] =	ssyncset.done $0x0  }
0x1e: {  	[sflag:s16] =	ssyncadd.s32 $0xFFFFEC00  }
0x1f: {  	[tilespmem:s19], [sflag:$0x2] =	stream.linear.gather [hbm4b:s9+s4], $0x1400, $0x38;
	[tilespmem:$0x15450] =	vst v63  }
0x20: {  	_ =	swait.ge [sflag:s16], $0x1400  }
0x21: {  	[sflag:s16] =	ssyncset.done $0x0  }
0x22: {  	s0 =	simm.s32 $0x0;
	[sflag:s16] =	ssyncadd.s32 $0xFFFFEC00  }
0x23: {  	[tilespmem:s20], [sflag:$0x2] =	stream.linear.gather [hbm4b:s10+s4], $0x1400, $0x38;
	[tilespmem:$0x15450] =	vst v63  }
0x24: {  	v4 =	vmov s0;
	_ =	swait.ge [sflag:s16], $0x1400  }
0x25: {  	v4 =	vshll.u32 v4, $0x3;
	[sflag:s16] =	ssyncset.done $0x0  }
0x26: {  	v4 =	vor.u32 v1, v4;
	[sflag:s16] =	ssyncadd.s32 $0xFFFFEC00  }
0x27: {  	[spmem:s22], [sflag:s21] =	dma.local [hbm:s12], $0x280  }
0x28: {  	_ =	swait.ge [sflag:s16], $0x280  }
0x29: {  	[sflag:s16] =	ssyncset.done $0x0  }
0x2a: {  	[sflag:s16] =	ssyncadd.s32 $0xFFFFFD80  }
0x2b: {  	v5 =	vld.idx.msk [tilespmem:v4+s19+$0x0], $0xffff  }
0x2c: {  	v4 =	vld.idx.msk [tilespmem:v4+s20+$0x0], $0xffff;
	_ =	sdelay $0x4  }
0x2d: {  	v4 =	vadd.f32 v4, v5;
	_ =	sdelay $0x1  }
0x2e: {  	v4 =	vadd.f32 $1.000000000e+00, v4;
	_ =	sdelay $0x1  }
0x2f: {  	v5 =	vshrl.u32 v4, $0x1;
	v4 =	vmul.f32 $5.000000000e-01, v4  }
0x30: {  	v5 =	vsub.s32 $0x5F3759DF, v5  }
0x31: {  	v6 =	vmul.f32 v5, v4;
	_ =	sdelay $0x1  }
0x32: {  	v6 =	vmul.f32 v5, v6;
	_ =	sdelay $0x1  }
0x33: {  	v6 =	vsub.f32 $1.500000000e+00, v6;
	_ =	sdelay $0x1  }
0x34: {  	v5 =	vmul.f32 v5, v6;
	_ =	sdelay $0x1  }
0x35: {  	v6 =	vmul.f32 v5, v4;
	_ =	sdelay $0x1  }
0x36: {  	v6 =	vmul.f32 v6, v5;
	_ =	sdelay $0x1  }
0x37: {  	v6 =	vsub.f32 $1.500000000e+00, v6;
	_ =	sdelay $0x1  }
0x38: {  	v5 =	vmul.f32 v6, v5;
	_ =	sdelay $0x1  }
0x39: {  	v4 =	vmul.f32 v5, v4;
	_ =	sdelay $0x1  }
0x3a: {  	v4 =	vmul.f32 v4, v5  }
0x3b: {  	v6 =	vor.u32 s0, v2  }
0x3c: {  	v7 =	vshll.u32 v6, $0x3;
	v4 =	vsub.f32 $1.500000000e+00, v4  }
0x3d: {  	v7 =	vor.u32 v3, v7  }
0x3e: {  	v4 =	vmul.f32 v4, v5  }
0x3f: {  	s2 =	sadd.s32 $0x0, s5  }
0x40: {  	s30 =	simm.s32 $0x129D0;
	v5 =	vor.u32 s2, v0;
	[tilespmem:s23+$0x0] =	vst v4  }
0x41: {  	[tilespmem:s30+$0x0] =	vst v5  }
0x42: {  	v4 =	vld.idx.msk [tilespmem:v7+s18+$0x0], vm0  }
0x43: {  	s3 =	simm.s32 $0x2;
	v5 =	vld.idx.msk [tilespmem:v6+s23+$0x0], $0xffff  }
0x44: {  	v6 =	vor.u32 s3, v2  }
0x45: {  	v8 =	vshll.u32 v6, $0x3  }
0x46: {  	v8 =	vor.u32 v3, v8;
	_ =	sdelay $0x1  }
0x47: {  	v4 =	vmul.f32 v5, v4;
	_ =	sdelay $0x1  }
0x48: {  	[tilespmem:v7+s24+$0x0] =	vst.idx.msk $0xffff, v4  }
0x49: {  	v4 =	vld.idx.msk [tilespmem:v8+s18+$0x0], vm0  }
0x4a: {  	s1 =	simm.s32 $0x4;
	v5 =	vld.idx.msk [tilespmem:v6+s23+$0x0], $0xffff  }
0x4b: {  	v6 =	vor.u32 s1, v2  }
0x4c: {  	v7 =	vshll.u32 v6, $0x3  }
0x4d: {  	v7 =	vor.u32 v3, v7;
	_ =	sdelay $0x1  }
0x4e: {  	v4 =	vmul.f32 v5, v4;
	_ =	sdelay $0x1  }
0x4f: {  	[tilespmem:v8+s24+$0x0] =	vst.idx.msk $0xffff, v4  }
0x50: {  	v4 =	vld.idx.msk [tilespmem:v7+s18+$0x0], vm0  }
0x51: {  	s2 =	simm.s32 $0x6;
	v5 =	vld.idx.msk [tilespmem:v6+s23+$0x0], $0xffff  }
0x52: {  	v6 =	vor.u32 s2, v2  }
0x53: {  	v62 =	vshll.u32 v6, $0x3  }
0x54: {  	v8 =	vor.u32 v3, v62;
	_ =	sdelay $0x1  }
0x55: {  	v4 =	vmul.f32 v5, v4;
	_ =	sdelay $0x1  }
0x56: {  	[tilespmem:v7+s24+$0x0] =	vst.idx.msk $0xffff, v4  }
0x57: {  	v4 =	vld.idx.msk [tilespmem:v8+s18+$0x0], vm0  }
0x58: {  	s3 =	simm.s32 $0x8;
	v5 =	vld.idx.msk [tilespmem:v6+s23+$0x0], $0xffff  }
0x59: {  	v6 =	vor.u32 s3, v2  }
0x5a: {  	v7 =	vshll.u32 v6, $0x3  }
0x5b: {  	v7 =	vor.u32 v3, v7;
	_ =	sdelay $0x1  }
0x5c: {  	v4 =	vmul.f32 v5, v4;
	_ =	sdelay $0x1  }
0x5d: {  	[tilespmem:v8+s24+$0x0] =	vst.idx.msk $0xffff, v4  }
0x5e: {  	v4 =	vld.idx.msk [tilespmem:v7+s18+$0x0], vm0  }
0x5f: {  	s1 =	simm.s32 $0xA;
	v5 =	vld.idx.msk [tilespmem:v6+s23+$0x0], $0xffff  }
0x60: {  	v6 =	vor.u32 s1, v2  }
0x61: {  	v63 =	vshll.u32 v6, $0x3  }
0x62: {  	v8 =	vor.u32 v3, v63;
	_ =	sdelay $0x1  }
0x63: {  	v4 =	vmul.f32 v5, v4;
	_ =	sdelay $0x1  }
0x64: {  	[tilespmem:v7+s24+$0x0] =	vst.idx.msk $0xffff, v4  }
0x65: {  	v4 =	vld.idx.msk [tilespmem:v8+s18+$0x0], vm0  }
0x66: {  	s2 =	simm.s32 $0xC;
	v5 =	vld.idx.msk [tilespmem:v6+s23+$0x0], $0xffff  }
0x67: {  	v6 =	vor.u32 s2, v2  }
0x68: {  	v7 =	vshll.u32 v6, $0x3  }
0x69: {  	v7 =	vor.u32 v3, v7;
	_ =	sdelay $0x1  }
0x6a: {  	v4 =	vmul.f32 v5, v4;
	_ =	sdelay $0x1  }
0x6b: {  	[tilespmem:v8+s24+$0x0] =	vst.idx.msk $0xffff, v4  }
0x6c: {  	v4 =	vld.idx.msk [tilespmem:v7+s18+$0x0], vm0  }
0x6d: {  	v6 =	vld.idx.msk [tilespmem:v6+s23+$0x0], $0xffff;
	_ =	sdelay $0x2  }
0x6e: {  	s3 =	simm.s32 $0xE  }
0x6f: {  	v5 =	vor.u32 s3, v2  }
0x70: {  	v6 =	vmul.f32 v6, v4;
	v4 =	vshll.u32 v5, $0x3  }
0x71: {  	v4 =	vor.u32 v3, v4;
	_ =	sdelay $0x3  }
0x72: {  	s31 =	simm.s32 $0x1E;
	s1 =	simm.s32 $0xFF50;
	[tilespmem:v7+s24+$0x0] =	vst.idx.msk $0xffff, v6  }
.LBB2_2:
0x73: {  	p1 =	sne.s32 s31, $0x27E;
	v6 =	vld.idx.msk [tilespmem:v4+s18+$0x0], vm0;
	s1 =	sadd.s32 $0x10, s1;
	s30 =	sadd.s32 $0x10, s30  }
0x74: {  	s0 =	smov.u32 s31;
	s31 =	sadd.s32 $0x10, s31;
	v5 =	vld.idx.msk [tilespmem:v5+s23+$0x0], $0xffff  }
0x75: {  	s2 =	sadd.s32 $0xFFFFFFF2, s0  }
0x76: {  	v7 =	vmov s2;
	s3 =	sadd.s32 s5, s2  }
0x77: {  	v7 =	vshll.u32 v7, $0x3  }
0x78: {  	v7 =	vor.u32 v1, v7;
	_ =	sdelay $0x1  }
0x79: {  	v5 =	vmul.f32 v5, v6;
	_ =	sdelay $0x1  }
0x7a: {  	[tilespmem:v4+s24+$0x0] =	vst.idx.msk $0xffff, v5  }
0x7b: {  	v4 =	vld.idx.msk [tilespmem:v7+s19+$0x0], $0xffff  }
0x7c: {  	v5 =	vld.idx.msk [tilespmem:v7+s20+$0x0], $0xffff;
	_ =	sdelay $0x5  }
0x7d: {  	v4 =	vadd.f32 v5, v4;
	_ =	sdelay $0x1  }
0x7e: {  	v4 =	vadd.f32 $1.000000000e+00, v4;
	_ =	sdelay $0x1  }
0x7f: {  	v5 =	vshrl.u32 v4, $0x1;
	v4 =	vmul.f32 $5.000000000e-01, v4  }
0x80: {  	v5 =	vsub.s32 $0x5F3759DF, v5  }
0x81: {  	v6 =	vmul.f32 v5, v4;
	_ =	sdelay $0x1  }
0x82: {  	v6 =	vmul.f32 v5, v6;
	_ =	sdelay $0x1  }
0x83: {  	v6 =	vsub.f32 $1.500000000e+00, v6;
	_ =	sdelay $0x1  }
0x84: {  	v5 =	vmul.f32 v5, v6;
	_ =	sdelay $0x1  }
0x85: {  	v6 =	vmul.f32 v5, v4;
	_ =	sdelay $0x1  }
0x86: {  	v6 =	vmul.f32 v6, v5;
	_ =	sdelay $0x1  }
0x87: {  	v6 =	vsub.f32 $1.500000000e+00, v6;
	_ =	sdelay $0x1  }
0x88: {  	v5 =	vmul.f32 v6, v5;
	_ =	sdelay $0x1  }
0x89: {  	v4 =	vmul.f32 v5, v4;
	_ =	sdelay $0x1  }
0x8a: {  	v4 =	vmul.f32 v4, v5  }
0x8b: {  	v6 =	vor.u32 s2, v2  }
0x8c: {  	v7 =	vshll.u32 v6, $0x3;
	v4 =	vsub.f32 $1.500000000e+00, v4  }
0x8d: {  	v7 =	vor.u32 v3, v7  }
0x8e: {  	v4 =	vmul.f32 v4, v5  }
0x8f: {  	v5 =	vor.u32 s3, v0  }
0x90: {  	[tilespmem:s1+$0x0] =	vst v4  }
0x91: {  	[tilespmem:s30+$0x0] =	vst v5  }
0x92: {  	v4 =	vld.idx.msk [tilespmem:v7+s18+$0x0], vm0  }
0x93: {  	v5 =	vld.idx.msk [tilespmem:v6+s23+$0x0], $0xffff  }
0x94: {  	s2 =	sadd.s32 $0xFFFFFFF4, s0  }
0x95: {  	v6 =	vor.u32 s2, v2  }
0x96: {  	v8 =	vshll.u32 v6, $0x3  }
0x97: {  	v8 =	vor.u32 v3, v8;
	_ =	sdelay $0x1  }
0x98: {  	v4 =	vmul.f32 v5, v4;
	_ =	sdelay $0x1  }
0x99: {  	[tilespmem:v7+s24+$0x0] =	vst.idx.msk $0xffff, v4  }
0x9a: {  	v4 =	vld.idx.msk [tilespmem:v8+s18+$0x0], vm0  }
0x9b: {  	v5 =	vld.idx.msk [tilespmem:v6+s23+$0x0], $0xffff  }
0x9c: {  	s2 =	sadd.s32 $0xFFFFFFF6, s0  }
0x9d: {  	v6 =	vor.u32 s2, v2  }
0x9e: {  	v7 =	vshll.u32 v6, $0x3  }
0x9f: {  	v7 =	vor.u32 v3, v7;
	_ =	sdelay $0x1  }
0xa0: {  	v4 =	vmul.f32 v5, v4;
	_ =	sdelay $0x1  }
0xa1: {  	[tilespmem:v8+s24+$0x0] =	vst.idx.msk $0xffff, v4  }
0xa2: {  	v4 =	vld.idx.msk [tilespmem:v7+s18+$0x0], vm0  }
0xa3: {  	v5 =	vld.idx.msk [tilespmem:v6+s23+$0x0], $0xffff  }
0xa4: {  	s2 =	sadd.s32 $0xFFFFFFF8, s0  }
0xa5: {  	v6 =	vor.u32 s2, v2  }
0xa6: {  	v8 =	vshll.u32 v6, $0x3  }
0xa7: {  	v8 =	vor.u32 v3, v8;
	_ =	sdelay $0x1  }
0xa8: {  	v4 =	vmul.f32 v5, v4;
	_ =	sdelay $0x1  }
0xa9: {  	[tilespmem:v7+s24+$0x0] =	vst.idx.msk $0xffff, v4  }
0xaa: {  	v4 =	vld.idx.msk [tilespmem:v8+s18+$0x0], vm0  }
0xab: {  	v5 =	vld.idx.msk [tilespmem:v6+s23+$0x0], $0xffff  }
0xac: {  	s2 =	sadd.s32 $0xFFFFFFFA, s0  }
0xad: {  	v6 =	vor.u32 s2, v2  }
0xae: {  	v7 =	vshll.u32 v6, $0x3  }
0xaf: {  	v7 =	vor.u32 v3, v7;
	_ =	sdelay $0x1  }
0xb0: {  	v4 =	vmul.f32 v5, v4;
	_ =	sdelay $0x1  }
0xb1: {  	[tilespmem:v8+s24+$0x0] =	vst.idx.msk $0xffff, v4  }
0xb2: {  	v4 =	vld.idx.msk [tilespmem:v7+s18+$0x0], vm0  }
0xb3: {  	v5 =	vld.idx.msk [tilespmem:v6+s23+$0x0], $0xffff  }
0xb4: {  	s2 =	sadd.s32 $0xFFFFFFFC, s0  }
0xb5: {  	v6 =	vor.u32 s2, v2  }
0xb6: {  	v8 =	vshll.u32 v6, $0x3  }
0xb7: {  	v8 =	vor.u32 v3, v8;
	_ =	sdelay $0x1  }
0xb8: {  	v4 =	vmul.f32 v5, v4;
	_ =	sdelay $0x1  }
0xb9: {  	[tilespmem:v7+s24+$0x0] =	vst.idx.msk $0xffff, v4  }
0xba: {  	v4 =	vld.idx.msk [tilespmem:v8+s18+$0x0], vm0  }
0xbb: {  	v5 =	vld.idx.msk [tilespmem:v6+s23+$0x0], $0xffff  }
0xbc: {  	s2 =	sadd.s32 $0xFFFFFFFE, s0  }
0xbd: {  	v6 =	vor.u32 s2, v2  }
0xbe: {  	v7 =	vshll.u32 v6, $0x3  }
0xbf: {  	v7 =	vor.u32 v3, v7;
	_ =	sdelay $0x1  }
0xc0: {  	v4 =	vmul.f32 v5, v4;
	_ =	sdelay $0x1  }
0xc1: {  	[tilespmem:v8+s24+$0x0] =	vst.idx.msk $0xffff, v4  }
0xc2: {  	v8 =	vld.idx.msk [tilespmem:v7+s18+$0x0], vm0  }
0xc3: {  	v6 =	vld.idx.msk [tilespmem:v6+s23+$0x0], $0xffff;
	_ =	sdelay $0x1  }
0xc4: {  	v5 =	vor.u32 s0, v2  }
0xc5: {  	v4 =	vshll.u32 v5, $0x3  }
.Ltmp0:
0xc6: {  	v4 =	vor.u32 v3, v4;
	(pc) =	sbr.rel @p1 .LBB2_2-.Ltmp0, $3  }
0xc7: {  	_ = 	snop  }
0xc8: {  	v6 =	vmul.f32 v6, v8;
	_ =	sdelay $0x1  }
0xc9: {  	[tilespmem:v7+s24+$0x0] =	vst.idx.msk $0xffff, v6  }
0xca: {  	_ =	sdelay $0x4  }
0xcb: {  	v6 =	vld.idx.msk [tilespmem:v4+s18+$0x0], vm0  }
0xcc: {  	v5 =	vld.idx.msk [tilespmem:v5+s23+$0x0], $0xffff;
	_ =	sdelay $0x4  }
0xcd: {  	v5 =	vmul.f32 v5, v6;
	_ =	sdelay $0x1  }
0xce: {  	[tilespmem:v4+s24+$0x0] =	vst.idx.msk $0xffff, v5  }
0xcf: {  	[spmem:s13] =	stream.linear.scatter [tilespmem:s24], [sflag:$0x2], $0x1400, $0x38;
	[tilespmem:$0x15450] =	vst v63  }
0xd0: {  	_ =	swait.ge [sflag:s16], $0x1400  }
0xd1: {  	[sflag:s16] =	ssyncset.done $0x0  }
0xd2: {  	[sflag:s16] =	ssyncadd.s32 $0xFFFFEC00  }
0xd3: {  	[bflag:$0x0] =	sbarrier.arrive $0xFFFF  }
0xd4: {  	s0 =	rddreg [dreg:$0x3]  }
0xd5: {  	[tilespmem:s25], [sflag:$0x1] =	stream.indirect.gather [spmem:s0], $0x8, s4, s17, $0xb8;
	[tilespmem:$0x15450] =	vst v63  }
0xd6: {  	_ =	swait.ge [sflag:s26], $0x9C40  }
0xd7: {  	[sflag:s26] =	ssyncset.done $0x0  }
0xd8: {  	[sflag:s26] =	ssyncadd.s32 $0xFFFF63C0  }
0xd9: {  	s3 =	rddreg [dreg:$0x2]  }
0xda: {  	[spmem:s3] =	stream.indirect.scatter.add.f32 [tilespmem:s25], [sflag:$0x2], $0x8, s17, s17, $0xb8;
	[tilespmem:$0x15450] =	vst v63  }
0xdb: {  	_ =	swait.ge [sflag:s16], $0x9C40  }
0xdc: {  	s1 =	simm.s32 @!p0 $0x129D0;
	[sflag:s16] =	ssyncset.done $0x0  }
0xdd: {  	s2 =	simm.s32 @!p0 $0x101D0;
	s0 =	simm.s32 @!p0 $0x280;
	[sflag:s16] =	ssyncadd.s32 $0xFFFF63C0  }
0xde: {  	[spmem:s3] =	stream.indirect.scatter.add.f32 @!p0 [tilespmem:s2], [sflag:$0x2], $0x8, s1, s0, $0xb8;
	[tilespmem:$0x15450] =	vst v63  }
0xdf: {  	s0 =	simm.s32 @!p0 $0x2  }
0xe0: {  	_ =	swait.ge @!p0 [sflag:s0], $0x1400  }
0xe1: {  	s3 =	simm.s32 $0x0;
	[sflag:s0] =	ssyncset.done @!p0 $0x0  }
0xe2: {  	v4 =	vor.u32 s3, v2;
	[sflag:s0] =	ssyncadd.s32 @!p0 $0xFFFFEC00  }
0xe3: {  	v5 =	vshll.u32 v4, $0x3;
	[bflag:$0x0] =	sbarrier.arrive $0xFFFF  }
0xe4: {  	v5 =	vor.u32 v3, v5;
	[tilespmem:s19], [sflag:$0x2] =	stream.linear.gather [spmem:s11], $0x1400, $0x38;
	[tilespmem:$0x15450] =	vst v63  }
0xe5: {  	_ =	swait.ge [sflag:s16], $0x1400  }
0xe6: {  	[sflag:s16] =	ssyncset.done $0x0  }
0xe7: {  	[sflag:s16] =	ssyncadd.s32 $0xFFFFEC00  }
0xe8: {  	v4 =	vld.idx.msk [tilespmem:v4+s23+$0x0], $0xffff  }
0xe9: {  	s30 =	simm.s32 $0x2;
	v6 =	vld.idx.msk [tilespmem:v5+s19+$0x0], $0xffff  }
0xea: {  	v7 =	vor.u32 s30, v2  }
0xeb: {  	v8 =	vshll.u32 v7, $0x3  }
0xec: {  	v8 =	vor.u32 v3, v8;
	_ =	sdelay $0x1  }
0xed: {  	v4 =	vmul.f32 v4, v6;
	_ =	sdelay $0x1  }
0xee: {  	[tilespmem:v5+s28+$0x0] =	vst.idx.msk vm0, v4  }
0xef: {  	v4 =	vld.idx.msk [tilespmem:v8+s19+$0x0], $0xffff  }
0xf0: {  	s31 =	simm.s32 $0x4;
	v5 =	vld.idx.msk [tilespmem:v7+s23+$0x0], $0xffff  }
0xf1: {  	v6 =	vor.u32 s31, v2  }
0xf2: {  	v7 =	vshll.u32 v6, $0x3  }
0xf3: {  	v7 =	vor.u32 v3, v7;
	_ =	sdelay $0x1  }
0xf4: {  	v4 =	vmul.f32 v5, v4;
	_ =	sdelay $0x1  }
0xf5: {  	[tilespmem:v8+s28+$0x0] =	vst.idx.msk vm0, v4  }
0xf6: {  	v4 =	vld.idx.msk [tilespmem:v7+s19+$0x0], $0xffff  }
0xf7: {  	s1 =	simm.s32 $0x6;
	v5 =	vld.idx.msk [tilespmem:v6+s23+$0x0], $0xffff  }
0xf8: {  	v6 =	vor.u32 s1, v2  }
0xf9: {  	v8 =	vshll.u32 v6, $0x3  }
0xfa: {  	v8 =	vor.u32 v3, v8;
	_ =	sdelay $0x1  }
0xfb: {  	v4 =	vmul.f32 v5, v4;
	_ =	sdelay $0x1  }
0xfc: {  	[tilespmem:v7+s28+$0x0] =	vst.idx.msk vm0, v4  }
0xfd: {  	v4 =	vld.idx.msk [tilespmem:v8+s19+$0x0], $0xffff  }
0xfe: {  	s2 =	simm.s32 $0x8;
	v5 =	vld.idx.msk [tilespmem:v6+s23+$0x0], $0xffff  }
0xff: {  	v6 =	vor.u32 s2, v2  }
0x100: {  	v7 =	vshll.u32 v6, $0x3  }
0x101: {  	v7 =	vor.u32 v3, v7;
	_ =	sdelay $0x1  }
0x102: {  	v4 =	vmul.f32 v5, v4;
	_ =	sdelay $0x1  }
0x103: {  	[tilespmem:v8+s28+$0x0] =	vst.idx.msk vm0, v4  }
0x104: {  	v4 =	vld.idx.msk [tilespmem:v7+s19+$0x0], $0xffff  }
0x105: {  	s3 =	simm.s32 $0xA;
	v5 =	vld.idx.msk [tilespmem:v6+s23+$0x0], $0xffff  }
0x106: {  	v6 =	vor.u32 s3, v2  }
0x107: {  	v8 =	vshll.u32 v6, $0x3  }
0x108: {  	v8 =	vor.u32 v3, v8;
	_ =	sdelay $0x1  }
0x109: {  	v4 =	vmul.f32 v5, v4;
	_ =	sdelay $0x1  }
0x10a: {  	[tilespmem:v7+s28+$0x0] =	vst.idx.msk vm0, v4  }
0x10b: {  	v4 =	vld.idx.msk [tilespmem:v8+s19+$0x0], $0xffff  }
0x10c: {  	s30 =	simm.s32 $0xC;
	v5 =	vld.idx.msk [tilespmem:v6+s23+$0x0], $0xffff  }
0x10d: {  	v6 =	vor.u32 s30, v2  }
0x10e: {  	v7 =	vshll.u32 v6, $0x3  }
0x10f: {  	v7 =	vor.u32 v3, v7;
	_ =	sdelay $0x1  }
0x110: {  	v4 =	vmul.f32 v5, v4;
	_ =	sdelay $0x1  }
0x111: {  	[tilespmem:v8+s28+$0x0] =	vst.idx.msk vm0, v4  }
0x112: {  	v5 =	vld.idx.msk [tilespmem:v7+s19+$0x0], $0xffff  }
0x113: {  	s31 =	simm.s32 $0xE;
	v6 =	vld.idx.msk [tilespmem:v6+s23+$0x0], $0xffff  }
0x114: {  	v8 =	vor.u32 s31, v2  }
0x115: {  	v4 =	vshll.u32 v8, $0x3  }
0x116: {  	v4 =	vor.u32 v3, v4;
	_ =	sdelay $0x1  }
0x117: {  	v5 =	vmul.f32 v6, v5;
	_ =	sdelay $0x1  }
0x118: {  	[tilespmem:v7+s28+$0x0] =	vst.idx.msk vm0, v5  }
0x119: {  	v5 =	vld.idx.msk [tilespmem:v4+s19+$0x0], $0xffff  }
0x11a: {  	s0 =	simm.s32 $0x1E;
	v6 =	vld.idx.msk [tilespmem:v8+s23+$0x0], $0xffff  }
.LBB2_4:
0x11b: {  	p1 =	sne.s32 s0, $0x27E;
	s1 =	smov.u32 s0;
	s0 =	sadd.s32 $0x10, s0  }
0x11c: {  	s2 =	sadd.s32 $0xFFFFFFF2, s1  }
0x11d: {  	v7 =	vor.u32 s2, v2  }
0x11e: {  	v8 =	vshll.u32 v7, $0x3  }
0x11f: {  	v8 =	vor.u32 v3, v8  }
0x120: {  	v5 =	vmul.f32 v6, v5;
	_ =	sdelay $0x1  }
0x121: {  	[tilespmem:v4+s28+$0x0] =	vst.idx.msk vm0, v5  }
0x122: {  	v4 =	vld.idx.msk [tilespmem:v7+s23+$0x0], $0xffff  }
0x123: {  	v5 =	vld.idx.msk [tilespmem:v8+s19+$0x0], $0xffff  }
0x124: {  	s2 =	sadd.s32 $0xFFFFFFF4, s1  }
0x125: {  	v6 =	vor.u32 s2, v2  }
0x126: {  	v7 =	vshll.u32 v6, $0x3  }
0x127: {  	v7 =	vor.u32 v3, v7;
	_ =	sdelay $0x1  }
0x128: {  	v4 =	vmul.f32 v4, v5;
	_ =	sdelay $0x1  }
0x129: {  	[tilespmem:v8+s28+$0x0] =	vst.idx.msk vm0, v4  }
0x12a: {  	v4 =	vld.idx.msk [tilespmem:v7+s19+$0x0], $0xffff  }
0x12b: {  	v5 =	vld.idx.msk [tilespmem:v6+s23+$0x0], $0xffff  }
0x12c: {  	s2 =	sadd.s32 $0xFFFFFFF6, s1  }
0x12d: {  	v6 =	vor.u32 s2, v2  }
0x12e: {  	v8 =	vshll.u32 v6, $0x3  }
0x12f: {  	v8 =	vor.u32 v3, v8;
	_ =	sdelay $0x1  }
0x130: {  	v4 =	vmul.f32 v5, v4;
	_ =	sdelay $0x1  }
0x131: {  	[tilespmem:v7+s28+$0x0] =	vst.idx.msk vm0, v4  }
0x132: {  	v4 =	vld.idx.msk [tilespmem:v8+s19+$0x0], $0xffff  }
0x133: {  	v5 =	vld.idx.msk [tilespmem:v6+s23+$0x0], $0xffff  }
0x134: {  	s2 =	sadd.s32 $0xFFFFFFF8, s1  }
0x135: {  	v6 =	vor.u32 s2, v2  }
0x136: {  	v7 =	vshll.u32 v6, $0x3  }
0x137: {  	v7 =	vor.u32 v3, v7;
	_ =	sdelay $0x1  }
0x138: {  	v4 =	vmul.f32 v5, v4;
	_ =	sdelay $0x1  }
0x139: {  	[tilespmem:v8+s28+$0x0] =	vst.idx.msk vm0, v4  }
0x13a: {  	v4 =	vld.idx.msk [tilespmem:v7+s19+$0x0], $0xffff  }
0x13b: {  	v5 =	vld.idx.msk [tilespmem:v6+s23+$0x0], $0xffff  }
0x13c: {  	s2 =	sadd.s32 $0xFFFFFFFA, s1  }
0x13d: {  	v6 =	vor.u32 s2, v2  }
0x13e: {  	v8 =	vshll.u32 v6, $0x3  }
0x13f: {  	v8 =	vor.u32 v3, v8;
	_ =	sdelay $0x1  }
0x140: {  	v4 =	vmul.f32 v5, v4;
	_ =	sdelay $0x1  }
0x141: {  	[tilespmem:v7+s28+$0x0] =	vst.idx.msk vm0, v4  }
0x142: {  	v4 =	vld.idx.msk [tilespmem:v8+s19+$0x0], $0xffff  }
0x143: {  	v5 =	vld.idx.msk [tilespmem:v6+s23+$0x0], $0xffff  }
0x144: {  	s2 =	sadd.s32 $0xFFFFFFFC, s1  }
0x145: {  	v6 =	vor.u32 s2, v2  }
0x146: {  	v7 =	vshll.u32 v6, $0x3  }
0x147: {  	v7 =	vor.u32 v3, v7;
	_ =	sdelay $0x1  }
0x148: {  	v4 =	vmul.f32 v5, v4;
	_ =	sdelay $0x1  }
0x149: {  	[tilespmem:v8+s28+$0x0] =	vst.idx.msk vm0, v4  }
0x14a: {  	v4 =	vld.idx.msk [tilespmem:v7+s19+$0x0], $0xffff  }
0x14b: {  	v5 =	vld.idx.msk [tilespmem:v6+s23+$0x0], $0xffff  }
0x14c: {  	s2 =	sadd.s32 $0xFFFFFFFE, s1  }
0x14d: {  	v6 =	vor.u32 s2, v2  }
0x14e: {  	v8 =	vshll.u32 v6, $0x3  }
0x14f: {  	v8 =	vor.u32 v3, v8;
	_ =	sdelay $0x1  }
0x150: {  	v4 =	vmul.f32 v5, v4;
	_ =	sdelay $0x1  }
0x151: {  	[tilespmem:v7+s28+$0x0] =	vst.idx.msk vm0, v4  }
0x152: {  	v5 =	vld.idx.msk [tilespmem:v8+s19+$0x0], $0xffff  }
0x153: {  	v6 =	vld.idx.msk [tilespmem:v6+s23+$0x0], $0xffff;
	_ =	sdelay $0x1  }
0x154: {  	v7 =	vor.u32 s1, v2  }
0x155: {  	v4 =	vshll.u32 v7, $0x3  }
0x156: {  	v4 =	vor.u32 v3, v4;
	_ =	sdelay $0x1  }
.Ltmp1:
0x157: {  	v5 =	vmul.f32 v6, v5;
	(pc) =	sbr.rel @p1 .LBB2_4-.Ltmp1, $4  }
0x158: {  	_ = 	snop  }
0x159: {  	[tilespmem:v8+s28+$0x0] =	vst.idx.msk vm0, v5  }
0x15a: {  	v5 =	vld.idx.msk [tilespmem:v4+s19+$0x0], $0xffff  }
0x15b: {  	v6 =	vld.idx.msk [tilespmem:v7+s23+$0x0], $0xffff  }
0x15c: {  	_ =	sdelay $0x3  }
0x15d: {  	s29 =	sadd.s32 $0x1, s29;
	v5 =	vmul.f32 v6, v5  }
0x15e: {  	p1 =	sne.s32 s29, s15  }
.Ltmp2:
0x15f: {  	[tilespmem:v4+s28+$0x0] =	vst.idx.msk vm0, v5;
	(pc) =	sbr.rel @p1 .LBB2_1-.Ltmp2, $4  }
0x160: {  	[hbm4b:s14+s4] =	stream.linear.scatter [tilespmem:s28], [sflag:$0x2], $0x1400, $0x38;
	[tilespmem:$0x15450] =	vst v63  }
0x161: {  	_ =	swait.ge [sflag:s16], $0x1400  }
0x162: {  	[sflag:s16] =	ssyncset.done $0x0  }
0x163: {  	[sflag:s16] =	ssyncadd.s32 $0xFFFFEC00  }
0x164: {  	_ =	sfence.sel $0x180000  }
0x165: {  	[bflag:$0x0] =	sbarrier.arrive $0xFFFF  }
0x166: {  	_ =	strace $0x9000004A  }
0x167: {  	s0 =	stileid.u32;
	[bflag:$0x2] =	sbarrier.arrive $0xFFFF  }
0x168: {  	p0 =	sne.s32 s0, $0x0;
	s0 =	rddreg [dreg:$0x4]  }
0x169: {  	s0 =	sadd.s32 @!p0 $0x100000, s0  }
0x16a: {  	[sflag:s0] =	ssyncadd.tile.s32 @!p0 $0x1;
	_ =	shalt  }
.Lfunc_end2:
_tile_overlayer_lowered:
.L_overlay_start_2:
0x16b: {  	(tag) =	ssettag $0x2  }
0x16c: {  	s0 =	rddreg [dreg:$0x0];
	s2 =	stileid.u32  }
0x16d: {  	s1 =	rddreg [dreg:$0x1];
	p0 =	sne.s32 s2, $0x0  }
0x16e: {  	s3 =	rddreg [dreg:$0x2];
	[bflag:$0x3] =	sbarrier.arrive $0xFFFF;
	s2 =	simm.s32 @!p0 $0x1C02  }
0x16f: {  	[timem:s3], [sflag:s2] =	dma.local @!p0 [hbm:s0], s1  }
0x170: {  	s0 =	simm.s32 @!p0 $0x2  }
0x171: {  	_ =	swait.ge @!p0 [sflag:s0], s1  }
0x172: {  	s1 =	ssub.s32 @!p0 $0x0, s1;
	[sflag:s0] =	ssyncset.done @!p0 $0x0  }
0x173: {  	[sflag:s0] =	ssyncadd.s32 @!p0 s1  }
0x174: {  	[bflag:$0x3] =	sbarrier.arrive $0xFFFF  }
0x175: {  	_ =	shalt  }

</sc_bundles>
